<compile_context>
chip_gen: v7x
topology: tpu7x:2x2x1
jax: 0.10.2.dev20260603
libtpu: 0.0.44.dev20260713+nightly
codegen_flags: <defaults>
</compile_context>

<pallas_src>
import functools

import jax
import jax.numpy as jnp
from jax import lax
from jax.experimental import pallas as pl
from jax.experimental.pallas import tpu as pltpu
from jax.experimental.pallas import tpu_sc as plsc

_N = 10000
_E = 320000
_D = 128
_DC = 16

_NC = 2
_NS = 16
_NW = _NC * _NS
_EPW = _E // _NW
_CH = 80
_NCH = _EPW // _CH
_WCH = 1000
_WT = _N // _WCH

_mesh = plsc.VectorSubcoreMesh(core_axis_name="c", subcore_axis_name="s")
_sc_params = pltpu.CompilerParams(use_tc_tiling_on_sc=False)


def _make_agg():
    def body(y_hbm, src_hbm, dst_hbm, zrow_hbm, out_hbm,
             src_v, dst_v, buf0, buf1, agg_sh, sem0, sem1):
        cid = lax.axis_index("c")
        sid = lax.axis_index("s")
        wid = sid * _NC + cid

        @pl.when(sid < _WT)
        def _():
            pltpu.sync_copy(zrow_hbm, agg_sh.at[pl.ds(sid * _WCH, _WCH)])

        pltpu.sync_copy(src_hbm.at[pl.ds(wid * _EPW, _EPW)], src_v)
        pltpu.sync_copy(dst_hbm.at[pl.ds(wid * _EPW, _EPW)], dst_v)
        plsc.subcore_barrier()

        def sidx(k):
            return src_v.at[pl.ds(k * _CH, _CH)]

        def didx(k):
            return dst_v.at[pl.ds(k * _CH, _CH)]

        pltpu.async_copy(y_hbm.at[sidx(0)], buf0, sem0)

        def step(g, carry):
            k0 = 2 * g
            pltpu.async_copy(y_hbm.at[sidx(k0 + 1)], buf1, sem1)
            pltpu.make_async_copy(y_hbm.at[sidx(k0)], buf0, sem0).wait()
            pltpu.sync_copy(buf0, agg_sh.at[didx(k0)], add=True)
            pltpu.async_copy(y_hbm.at[sidx(k0 + 2)], buf0, sem0)
            pltpu.make_async_copy(y_hbm.at[sidx(k0 + 1)], buf1, sem1).wait()
            pltpu.sync_copy(buf1, agg_sh.at[didx(k0 + 1)], add=True)
            return carry

        lax.fori_loop(0, (_NCH - 1) // 2, step, 0)
        pltpu.make_async_copy(y_hbm.at[sidx(_NCH - 1)], buf0, sem0).wait()
        pltpu.sync_copy(buf0, agg_sh.at[didx(_NCH - 1)], add=True)
        plsc.subcore_barrier()

        @pl.when(sid < _WT)
        def _():
            o = cid * _N + sid * _WCH
            pltpu.sync_copy(agg_sh.at[pl.ds(sid * _WCH, _WCH)],
                            out_hbm.at[pl.ds(o, _WCH)])

    return pl.kernel(
        body, mesh=_mesh,
        out_type=jax.ShapeDtypeStruct((_NC * _N, _D), jnp.float32),
        scratch_types=(
            pltpu.VMEM((_EPW,), jnp.int32),
            pltpu.VMEM((_EPW,), jnp.int32),
            pltpu.VMEM((_CH, _D), jnp.float32),
            pltpu.VMEM((_CH, _D), jnp.float32),
            pltpu.VMEM_SHARED((_N, _D), jnp.float32),
            pltpu.SemaphoreType.DMA,
            pltpu.SemaphoreType.DMA,
        ),
        compiler_params=_sc_params)


_sc_agg = _make_agg()


def _cnt_body(dst_hbm, zcnt_hbm, out_hbm, dst_v, ones_v, cnt_sh):
    cid = lax.axis_index("c")
    sid = lax.axis_index("s")
    wid = sid * _NC + cid

    @pl.when(sid < _WT)
    def _():
        pltpu.sync_copy(zcnt_hbm, cnt_sh.at[pl.ds(sid * _WCH, _WCH)])

    pltpu.sync_copy(dst_hbm.at[pl.ds(wid * _EPW, _EPW)], dst_v)
    one_row = jnp.full((_DC,), 1.0, jnp.float32)

    def fill(i, carry):
        ones_v[i, :] = one_row
        return carry

    lax.fori_loop(0, _CH, fill, 0)
    plsc.subcore_barrier()

    def step(k, carry):
        pltpu.sync_copy(ones_v, cnt_sh.at[dst_v.at[pl.ds(k * _CH, _CH)]],
                        add=True)
        return carry

    lax.fori_loop(0, _NCH, step, 0)
    plsc.subcore_barrier()

    @pl.when(sid < _WT)
    def _():
        o = cid * _N + sid * _WCH
        pltpu.sync_copy(cnt_sh.at[pl.ds(sid * _WCH, _WCH)],
                        out_hbm.at[pl.ds(o, _WCH)])


_sc_cnt = pl.kernel(
    _cnt_body, mesh=_mesh,
    out_type=jax.ShapeDtypeStruct((_NC * _N, _DC), jnp.float32),
    scratch_types=(
        pltpu.VMEM((_EPW,), jnp.int32),
        pltpu.VMEM((_CH, _DC), jnp.float32),
        pltpu.VMEM_SHARED((_N, _DC), jnp.float32),
    ),
    compiler_params=_sc_params)


_BR = 1000


def _tc1_body(x_ref, wl_ref, wr_ref, bl_ref, y_ref, z_ref):
    xb = x_ref[...]
    y_ref[...] = jnp.dot(xb, wl_ref[...], preferred_element_type=jnp.float32)
    z_ref[...] = (jnp.dot(xb, wr_ref[...], preferred_element_type=jnp.float32)
                  + bl_ref[...])


def _recip(ca_ref, cb_ref):
    cnt = ca_ref[...] + cb_ref[...]
    return 1.0 / jnp.maximum(cnt[:, :1], 1.0)


def _tc2_body(sa_ref, sb_ref, ca_ref, cb_ref, z1_ref, wl_ref, wr_ref, bl_ref,
              y_ref, z_ref):
    r = _recip(ca_ref, cb_ref)
    h = jnp.maximum((sa_ref[...] + sb_ref[...]) * r + z1_ref[...], 0.0)
    y_ref[...] = jnp.dot(h, wl_ref[...], preferred_element_type=jnp.float32)
    z_ref[...] = (jnp.dot(h, wr_ref[...], preferred_element_type=jnp.float32)
                  + bl_ref[...])


def _tc3_body(sa_ref, sb_ref, ca_ref, cb_ref, z2_ref, o_ref):
    r = _recip(ca_ref, cb_ref)
    o_ref[...] = (sa_ref[...] + sb_ref[...]) * r + z2_ref[...]


_row_spec = pl.BlockSpec((_BR, _D), lambda i: (i, 0))
_cnt_spec = pl.BlockSpec((_BR, _DC), lambda i: (i, 0))
_w_spec = pl.BlockSpec((_D, _D), lambda i: (0, 0))
_b_spec = pl.BlockSpec((1, _D), lambda i: (0, 0))
_row_out = jax.ShapeDtypeStruct((_N, _D), jnp.float32)

_tc1 = pl.pallas_call(
    _tc1_body, grid=(_N // _BR,),
    in_specs=[_row_spec, _w_spec, _w_spec, _b_spec],
    out_specs=[_row_spec, _row_spec],
    out_shape=[_row_out, _row_out],
)

_tc2 = pl.pallas_call(
    _tc2_body, grid=(_N // _BR,),
    in_specs=[_row_spec, _row_spec, _cnt_spec, _cnt_spec, _row_spec,
              _w_spec, _w_spec, _b_spec],
    out_specs=[_row_spec, _row_spec],
    out_shape=[_row_out, _row_out],
)

_tc3 = pl.pallas_call(
    _tc3_body, grid=(_N // _BR,),
    in_specs=[_row_spec, _row_spec, _cnt_spec, _cnt_spec, _row_spec],
    out_specs=_row_spec,
    out_shape=_row_out,
)


def kernel(x, edge_index, Wl1, bl1, Wr1, Wl2, bl2, Wr2):
    src = edge_index[0].astype(jnp.int32)
    dst = edge_index[1].astype(jnp.int32)
    zrow = jnp.zeros((_WCH, _D), jnp.float32)

    zcnt = jnp.zeros((_WCH, _DC), jnp.float32)
    cnt = _sc_cnt(dst, zcnt)
    ca, cb = cnt[:_N], cnt[_N:]
    y1, z1 = _tc1(x, Wl1.T, Wr1.T, bl1.reshape(1, _D))
    s1 = _sc_agg(y1, src, dst, zrow)
    y2, z2 = _tc2(s1[:_N], s1[_N:], ca, cb, z1,
                  Wl2.T, Wr2.T, bl2.reshape(1, _D))
    s2 = _sc_agg(y2, src, dst, zrow)
    out = _tc3(s2[:_N], s2[_N:], ca, cb, z2)
    return out

# --- scband reference (transcript-rebuilt; emitter-appended) ---
"""Pipeline reference for scband-sage-variant-5463198401302 (READ-ONLY COPY).

The authoritative reference and input builder live on the scoring server;
editing this copy changes nothing except your own understanding.
"""

import jax, jax.numpy as jnp
import numpy as np

N_NODES = 10000
N_EDGES = 320000
D = 128


def _sage_conv(x, edge_index, Wl, bl, Wr):
    # PyG SAGEConv with mean aggregation:
    #   out = lin_l(mean_{j in N(i)} x_j) + lin_r(x_i)
    # lin_l has bias, lin_r has no bias.
    src = edge_index[0]
    dst = edge_index[1]
    msgs = jnp.take(x, src, axis=0)                    # gather (SparseCore)
    agg = jax.ops.segment_sum(msgs, dst, num_segments=x.shape[0])  # scatter-add
    cnt = jax.ops.segment_sum(jnp.ones((msgs.shape[0],), dtype=x.dtype), dst,
                              num_segments=x.shape[0])
    agg = agg / jnp.maximum(cnt, 1.0)[:, None]         # scatter-mean semantics
    return agg @ Wl.T + bl + x @ Wr.T


def setup_inputs(seed: int = 0) -> dict:
    key = jax.random.key(seed)
    ks = jax.random.split(key, 8)
    scale = 1.0 / np.sqrt(D)
    x = jax.random.normal(ks[0], (N_NODES, D), dtype=jnp.float32)
    edge_index = jax.random.randint(ks[1], (2, N_EDGES), 0, N_NODES, dtype=jnp.int64)
    Wl1 = jax.random.normal(ks[2], (D, D), dtype=jnp.float32) * scale
    bl1 = jnp.zeros((D,), dtype=jnp.float32)
    Wr1 = jax.random.normal(ks[3], (D, D), dtype=jnp.float32) * scale
    Wl2 = jax.random.normal(ks[4], (D, D), dtype=jnp.float32) * scale
    bl2 = jnp.zeros((D,), dtype=jnp.float32)
    Wr2 = jax.random.normal(ks[5], (D, D), dtype=jnp.float32) * scale
    return {"x": x, "edge_index": edge_index, "Wl1": Wl1, "bl1": bl1,
            "Wr1": Wr1, "Wl2": Wl2, "bl2": bl2, "Wr2": Wr2}


def reference(x, edge_index, Wl1, bl1, Wr1, Wl2, bl2, Wr2):
    # layer 1 + relu (dropout p=0.0 is a no-op)
    h = _sage_conv(x, edge_index, Wl1, bl1, Wr1)
    h = jax.nn.relu(h)
    # final layer (no activation)
    out = _sage_conv(h, edge_index, Wl2, bl2, Wr2)
    return out

if __name__ == "__main__":
    import jax
    _d = setup_inputs()
    print(jax.jit(kernel)(*tuple(_d.values())))

</pallas_src>

<mosaic_0001>
#map = affine_map<(d0, d1) -> (0, 0)>
#map1 = affine_map<(d0, d1) -> (0)>
module attributes {stable_mosaic.version = 14 : i64} {
  func.func @body(%arg0: i32, %arg1: i32, %arg2: memref<10000x128xf32, #tpu.memory_space<hbm>>, %arg3: memref<320000xi32, #tpu.memory_space<hbm>>, %arg4: memref<320000xi32, #tpu.memory_space<hbm>>, %arg5: memref<1000x128xf32, #tpu.memory_space<hbm>>, %arg6: memref<20000x128xf32, #tpu.memory_space<hbm>>, %arg7: memref<10000xi32, #tpu.memory_space<vmem>>, %arg8: memref<10000xi32, #tpu.memory_space<vmem>>, %arg9: memref<80x128xf32, #tpu.memory_space<vmem>>, %arg10: memref<80x128xf32, #tpu.memory_space<vmem>>, %arg11: memref<10000x128xf32, #tpu.memory_space<vmem_shared>>, %arg12: memref<!tpu.dma_semaphore, #tpu.memory_space<semaphore_mem>>, %arg13: memref<!tpu.dma_semaphore, #tpu.memory_space<semaphore_mem>>) attributes {dimension_semantics = [#tpu.dimension_semantics<core_parallel>, #tpu.dimension_semantics<subcore_parallel>], iteration_bounds = array<i64: 2, 16>, scalar_prefetch = 0 : i64, scratch_operands = 7 : i64, tpu.core_type = #tpu.core_type<sc_vector_subcore>, window_params = [{transform_indices = #map}, {transform_indices = #map1}, {transform_indices = #map1}, {transform_indices = #map}, {transform_indices = #map}]} {
    %mul3A = arith.constant 2 : i32
    %mul3A_0 = arith.muli %arg1, %mul3A : i32
    %add3A = arith.addi %mul3A_0, %arg0 : i32
    %lt3A = arith.constant 10 : i32
    %lt3A_1 = arith.cmpi slt, %arg1, %lt3A : i32
    %convert_element_type3A = arith.extui %lt3A_1 : i1 to i32
    %cond3A = arith.constant 0 : i32
    %cond3A_2 = arith.cmpi ne, %convert_element_type3A, %cond3A : i32
    scf.if %cond3A_2 {
      %mul3A_26 = arith.constant 1000 : i32
      %mul3A_27 = arith.muli %arg1, %mul3A_26 : i32
      "tpu.region"() ({
        %run_scoped3A = tpu.sem_alloc : memref<!tpu.dma_semaphore, #tpu.memory_space<semaphore_mem>>
        %dma_start3A_28 = arith.constant 0 : i32
        %dma_start3A_29 = tpu.memref_slice %arg11[%mul3A_27, %dma_start3A_28] : memref<10000x128xf32, #tpu.memory_space<vmem_shared>> -> memref<1000x128xf32, #tpu.memory_space<vmem_shared>>
        tpu.enqueue_dma source(%arg5 : memref<1000x128xf32, #tpu.memory_space<hbm>>) target(%dma_start3A_29 : memref<1000x128xf32, #tpu.memory_space<vmem_shared>>) target_semaphore(%run_scoped3A : memref<!tpu.dma_semaphore, #tpu.memory_space<semaphore_mem>>)
        %dma_wait3A_30 = arith.constant 0 : i32
        %dma_wait3A_31 = tpu.memref_slice %arg11[%mul3A_27, %dma_wait3A_30] : memref<10000x128xf32, #tpu.memory_space<vmem_shared>> -> memref<1000x128xf32, #tpu.memory_space<vmem_shared>>
        tpu.wait_dma2 semaphore(%run_scoped3A : memref<!tpu.dma_semaphore, #tpu.memory_space<semaphore_mem>>) src(%arg5 : memref<1000x128xf32, #tpu.memory_space<hbm>>) dst(%dma_wait3A_31 : memref<1000x128xf32, #tpu.memory_space<vmem_shared>>)
        tpu.yield
      }) : () -> ()
    } else {
    }
    %mul3A_3 = arith.constant 10000 : i32
    %mul3A_4 = arith.muli %add3A, %mul3A_3 : i32
    "tpu.region"() ({
      %run_scoped3A = tpu.sem_alloc : memref<!tpu.dma_semaphore, #tpu.memory_space<semaphore_mem>>
      %dma_start3A_26 = tpu.memref_slice %arg3[%mul3A_4] : memref<320000xi32, #tpu.memory_space<hbm>> -> memref<10000xi32, #tpu.memory_space<hbm>>
      %dma_start3A_27 = tpu.memref_slice %arg3[%mul3A_4] : memref<320000xi32, #tpu.memory_space<hbm>> -> memref<10000xi32, #tpu.memory_space<hbm>>
      tpu.enqueue_dma source(%dma_start3A_27 : memref<10000xi32, #tpu.memory_space<hbm>>) target(%arg7 : memref<10000xi32, #tpu.memory_space<vmem>>) target_semaphore(%run_scoped3A : memref<!tpu.dma_semaphore, #tpu.memory_space<semaphore_mem>>)
      %dma_wait3A_28 = tpu.memref_slice %arg3[%mul3A_4] : memref<320000xi32, #tpu.memory_space<hbm>> -> memref<10000xi32, #tpu.memory_space<hbm>>
      %dma_wait3A_29 = tpu.memref_slice %arg3[%mul3A_4] : memref<320000xi32, #tpu.memory_space<hbm>> -> memref<10000xi32, #tpu.memory_space<hbm>>
      tpu.wait_dma2 semaphore(%run_scoped3A : memref<!tpu.dma_semaphore, #tpu.memory_space<semaphore_mem>>) src(%dma_wait3A_29 : memref<10000xi32, #tpu.memory_space<hbm>>) dst(%arg7 : memref<10000xi32, #tpu.memory_space<vmem>>)
      tpu.yield
    }) : () -> ()
    %mul3A_5 = arith.constant 10000 : i32
    %mul3A_6 = arith.muli %add3A, %mul3A_5 : i32
    "tpu.region"() ({
      %run_scoped3A = tpu.sem_alloc : memref<!tpu.dma_semaphore, #tpu.memory_space<semaphore_mem>>
      %dma_start3A_26 = tpu.memref_slice %arg4[%mul3A_6] : memref<320000xi32, #tpu.memory_space<hbm>> -> memref<10000xi32, #tpu.memory_space<hbm>>
      %dma_start3A_27 = tpu.memref_slice %arg4[%mul3A_6] : memref<320000xi32, #tpu.memory_space<hbm>> -> memref<10000xi32, #tpu.memory_space<hbm>>
      tpu.enqueue_dma source(%dma_start3A_27 : memref<10000xi32, #tpu.memory_space<hbm>>) target(%arg8 : memref<10000xi32, #tpu.memory_space<vmem>>) target_semaphore(%run_scoped3A : memref<!tpu.dma_semaphore, #tpu.memory_space<semaphore_mem>>)
      %dma_wait3A_28 = tpu.memref_slice %arg4[%mul3A_6] : memref<320000xi32, #tpu.memory_space<hbm>> -> memref<10000xi32, #tpu.memory_space<hbm>>
      %dma_wait3A_29 = tpu.memref_slice %arg4[%mul3A_6] : memref<320000xi32, #tpu.memory_space<hbm>> -> memref<10000xi32, #tpu.memory_space<hbm>>
      tpu.wait_dma2 semaphore(%run_scoped3A : memref<!tpu.dma_semaphore, #tpu.memory_space<semaphore_mem>>) src(%dma_wait3A_29 : memref<10000xi32, #tpu.memory_space<hbm>>) dst(%arg8 : memref<10000xi32, #tpu.memory_space<vmem>>)
      tpu.yield
    }) : () -> ()
    %barrier3A = arith.constant 0 : index
    tpu.barrier barrier_id(%barrier3A)
    %dma_start3A = arith.constant 0 : i32
    %dma_start3A_7 = tpu.memref_slice %arg7[%dma_start3A] : memref<10000xi32, #tpu.memory_space<vmem>> -> memref<80xi32, #tpu.memory_space<vmem>>
    %dma_start3A_8 = arith.constant 0 : i32
    %dma_start3A_9 = arith.constant 0 : i32
    %dma_start3A_10 = tpu.memref_slice %arg2[%dma_start3A_8, %dma_start3A_9] : memref<10000x128xf32, #tpu.memory_space<hbm>> -> memref<10000x128xf32, #tpu.memory_space<hbm>>
    tpu.enqueue_indirect_dma source(%dma_start3A_10 : memref<10000x128xf32, #tpu.memory_space<hbm>>) target(%arg9 : memref<80x128xf32, #tpu.memory_space<vmem>>) offsets(%dma_start3A_7 : memref<80xi32, #tpu.memory_space<vmem>>) semaphore(%arg12 : memref<!tpu.dma_semaphore, #tpu.memory_space<semaphore_mem>>)
    %scan3A = arith.constant 0 : i32
    %scan3A_11 = arith.constant 0 : i32
    %scan3A_12 = arith.constant 62 : i32
    %scan3A_13 = arith.addi %scan3A_11, %scan3A_12 : i32
    %scan3A_14 = arith.constant 1 : i32
    scf.for %scan3A_26 = %scan3A_11 to %scan3A_13 step %scan3A_14  : i32 {
      %mul3A_27 = arith.constant 2 : i32
      %mul3A_28 = arith.muli %mul3A_27, %scan3A_26 : i32
      %add3A_29 = arith.constant 1 : i32
      %add3A_30 = arith.addi %mul3A_28, %add3A_29 : i32
      %mul3A_31 = arith.constant 80 : i32
      %mul3A_32 = arith.muli %add3A_30, %mul3A_31 : i32
      %dma_start3A_33 = tpu.memref_slice %arg7[%mul3A_32] : memref<10000xi32, #tpu.memory_space<vmem>> -> memref<80xi32, #tpu.memory_space<vmem>>
      %dma_start3A_34 = arith.constant 0 : i32
      %dma_start3A_35 = arith.constant 0 : i32
      %dma_start3A_36 = tpu.memref_slice %arg2[%dma_start3A_34, %dma_start3A_35] : memref<10000x128xf32, #tpu.memory_space<hbm>> -> memref<10000x128xf32, #tpu.memory_space<hbm>>
      tpu.enqueue_indirect_dma source(%dma_start3A_36 : memref<10000x128xf32, #tpu.memory_space<hbm>>) target(%arg10 : memref<80x128xf32, #tpu.memory_space<vmem>>) offsets(%dma_start3A_33 : memref<80xi32, #tpu.memory_space<vmem>>) semaphore(%arg13 : memref<!tpu.dma_semaphore, #tpu.memory_space<semaphore_mem>>)
      %mul3A_37 = arith.constant 80 : i32
      %mul3A_38 = arith.muli %mul3A_28, %mul3A_37 : i32
      %dma_wait3A_39 = tpu.memref_slice %arg7[%mul3A_38] : memref<10000xi32, #tpu.memory_space<vmem>> -> memref<80xi32, #tpu.memory_space<vmem>>
      %dma_wait3A_40 = arith.constant 0 : i32
      %dma_wait3A_41 = arith.constant 0 : i32
      %dma_wait3A_42 = tpu.memref_slice %arg2[%dma_wait3A_40, %dma_wait3A_41] : memref<10000x128xf32, #tpu.memory_space<hbm>> -> memref<10000x128xf32, #tpu.memory_space<hbm>>
      tpu.wait_indirect_dma semaphore(%arg12 : memref<!tpu.dma_semaphore, #tpu.memory_space<semaphore_mem>>) src(%dma_wait3A_42 : memref<10000x128xf32, #tpu.memory_space<hbm>>) dst(%arg9 : memref<80x128xf32, #tpu.memory_space<vmem>>)
      %mul3A_43 = arith.constant 80 : i32
      %mul3A_44 = arith.muli %mul3A_28, %mul3A_43 : i32
      "tpu.region"() ({
        %run_scoped3A = tpu.sem_alloc : memref<!tpu.dma_semaphore, #tpu.memory_space<semaphore_mem>>
        %dma_start3A_65 = tpu.memref_slice %arg8[%mul3A_44] : memref<10000xi32, #tpu.memory_space<vmem>> -> memref<80xi32, #tpu.memory_space<vmem>>
        %dma_start3A_66 = arith.constant 0 : i32
        %dma_start3A_67 = arith.constant 0 : i32
        %dma_start3A_68 = tpu.memref_slice %arg11[%dma_start3A_66, %dma_start3A_67] : memref<10000x128xf32, #tpu.memory_space<vmem_shared>> -> memref<10000x128xf32, #tpu.memory_space<vmem_shared>>
        tpu.enqueue_indirect_dma source(%arg9 : memref<80x128xf32, #tpu.memory_space<vmem>>) target(%dma_start3A_68 : memref<10000x128xf32, #tpu.memory_space<vmem_shared>>) offsets(%dma_start3A_65 : memref<80xi32, #tpu.memory_space<vmem>>) semaphore(%run_scoped3A : memref<!tpu.dma_semaphore, #tpu.memory_space<semaphore_mem>>) {add = true}
        %dma_wait3A_69 = tpu.memref_slice %arg8[%mul3A_44] : memref<10000xi32, #tpu.memory_space<vmem>> -> memref<80xi32, #tpu.memory_space<vmem>>
        %dma_wait3A_70 = arith.constant 0 : i32
        %dma_wait3A_71 = arith.constant 0 : i32
        %dma_wait3A_72 = tpu.memref_slice %arg11[%dma_wait3A_70, %dma_wait3A_71] : memref<10000x128xf32, #tpu.memory_space<vmem_shared>> -> memref<10000x128xf32, #tpu.memory_space<vmem_shared>>
        tpu.wait_indirect_dma semaphore(%run_scoped3A : memref<!tpu.dma_semaphore, #tpu.memory_space<semaphore_mem>>) src(%arg9 : memref<80x128xf32, #tpu.memory_space<vmem>>) dst(%dma_wait3A_72 : memref<10000x128xf32, #tpu.memory_space<vmem_shared>>)
        tpu.yield
      }) : () -> ()
      %add3A_45 = arith.constant 2 : i32
      %add3A_46 = arith.addi %mul3A_28, %add3A_45 : i32
      %mul3A_47 = arith.constant 80 : i32
      %mul3A_48 = arith.muli %add3A_46, %mul3A_47 : i32
      %dma_start3A_49 = tpu.memref_slice %arg7[%mul3A_48] : memref<10000xi32, #tpu.memory_space<vmem>> -> memref<80xi32, #tpu.memory_space<vmem>>
      %dma_start3A_50 = arith.constant 0 : i32
      %dma_start3A_51 = arith.constant 0 : i32
      %dma_start3A_52 = tpu.memref_slice %arg2[%dma_start3A_50, %dma_start3A_51] : memref<10000x128xf32, #tpu.memory_space<hbm>> -> memref<10000x128xf32, #tpu.memory_space<hbm>>
      tpu.enqueue_indirect_dma source(%dma_start3A_52 : memref<10000x128xf32, #tpu.memory_space<hbm>>) target(%arg9 : memref<80x128xf32, #tpu.memory_space<vmem>>) offsets(%dma_start3A_49 : memref<80xi32, #tpu.memory_space<vmem>>) semaphore(%arg12 : memref<!tpu.dma_semaphore, #tpu.memory_space<semaphore_mem>>)
      %add3A_53 = arith.constant 1 : i32
      %add3A_54 = arith.addi %mul3A_28, %add3A_53 : i32
      %mul3A_55 = arith.constant 80 : i32
      %mul3A_56 = arith.muli %add3A_54, %mul3A_55 : i32
      %dma_wait3A_57 = tpu.memref_slice %arg7[%mul3A_56] : memref<10000xi32, #tpu.memory_space<vmem>> -> memref<80xi32, #tpu.memory_space<vmem>>
      %dma_wait3A_58 = arith.constant 0 : i32
      %dma_wait3A_59 = arith.constant 0 : i32
      %dma_wait3A_60 = tpu.memref_slice %arg2[%dma_wait3A_58, %dma_wait3A_59] : memref<10000x128xf32, #tpu.memory_space<hbm>> -> memref<10000x128xf32, #tpu.memory_space<hbm>>
      tpu.wait_indirect_dma semaphore(%arg13 : memref<!tpu.dma_semaphore, #tpu.memory_space<semaphore_mem>>) src(%dma_wait3A_60 : memref<10000x128xf32, #tpu.memory_space<hbm>>) dst(%arg10 : memref<80x128xf32, #tpu.memory_space<vmem>>)
      %add3A_61 = arith.constant 1 : i32
      %add3A_62 = arith.addi %mul3A_28, %add3A_61 : i32
      %mul3A_63 = arith.constant 80 : i32
      %mul3A_64 = arith.muli %add3A_62, %mul3A_63 : i32
      "tpu.region"() ({
        %run_scoped3A = tpu.sem_alloc : memref<!tpu.dma_semaphore, #tpu.memory_space<semaphore_mem>>
        %dma_start3A_65 = tpu.memref_slice %arg8[%mul3A_64] : memref<10000xi32, #tpu.memory_space<vmem>> -> memref<80xi32, #tpu.memory_space<vmem>>
        %dma_start3A_66 = arith.constant 0 : i32
        %dma_start3A_67 = arith.constant 0 : i32
        %dma_start3A_68 = tpu.memref_slice %arg11[%dma_start3A_66, %dma_start3A_67] : memref<10000x128xf32, #tpu.memory_space<vmem_shared>> -> memref<10000x128xf32, #tpu.memory_space<vmem_shared>>
        tpu.enqueue_indirect_dma source(%arg10 : memref<80x128xf32, #tpu.memory_space<vmem>>) target(%dma_start3A_68 : memref<10000x128xf32, #tpu.memory_space<vmem_shared>>) offsets(%dma_start3A_65 : memref<80xi32, #tpu.memory_space<vmem>>) semaphore(%run_scoped3A : memref<!tpu.dma_semaphore, #tpu.memory_space<semaphore_mem>>) {add = true}
        %dma_wait3A_69 = tpu.memref_slice %arg8[%mul3A_64] : memref<10000xi32, #tpu.memory_space<vmem>> -> memref<80xi32, #tpu.memory_space<vmem>>
        %dma_wait3A_70 = arith.constant 0 : i32
        %dma_wait3A_71 = arith.constant 0 : i32
        %dma_wait3A_72 = tpu.memref_slice %arg11[%dma_wait3A_70, %dma_wait3A_71] : memref<10000x128xf32, #tpu.memory_space<vmem_shared>> -> memref<10000x128xf32, #tpu.memory_space<vmem_shared>>
        tpu.wait_indirect_dma semaphore(%run_scoped3A : memref<!tpu.dma_semaphore, #tpu.memory_space<semaphore_mem>>) src(%arg10 : memref<80x128xf32, #tpu.memory_space<vmem>>) dst(%dma_wait3A_72 : memref<10000x128xf32, #tpu.memory_space<vmem_shared>>)
        tpu.yield
      }) : () -> ()
    }
    %scan3A_15 = arith.constant 62 : i32
    %dma_wait3A = arith.constant 9920 : i32
    %dma_wait3A_16 = tpu.memref_slice %arg7[%dma_wait3A] : memref<10000xi32, #tpu.memory_space<vmem>> -> memref<80xi32, #tpu.memory_space<vmem>>
    %dma_wait3A_17 = arith.constant 0 : i32
    %dma_wait3A_18 = arith.constant 0 : i32
    %dma_wait3A_19 = tpu.memref_slice %arg2[%dma_wait3A_17, %dma_wait3A_18] : memref<10000x128xf32, #tpu.memory_space<hbm>> -> memref<10000x128xf32, #tpu.memory_space<hbm>>
    tpu.wait_indirect_dma semaphore(%arg12 : memref<!tpu.dma_semaphore, #tpu.memory_space<semaphore_mem>>) src(%dma_wait3A_19 : memref<10000x128xf32, #tpu.memory_space<hbm>>) dst(%arg9 : memref<80x128xf32, #tpu.memory_space<vmem>>)
    "tpu.region"() ({
      %run_scoped3A = tpu.sem_alloc : memref<!tpu.dma_semaphore, #tpu.memory_space<semaphore_mem>>
      %dma_start3A_26 = arith.constant 9920 : i32
      %dma_start3A_27 = tpu.memref_slice %arg8[%dma_start3A_26] : memref<10000xi32, #tpu.memory_space<vmem>> -> memref<80xi32, #tpu.memory_space<vmem>>
      %dma_start3A_28 = arith.constant 0 : i32
      %dma_start3A_29 = arith.constant 0 : i32
      %dma_start3A_30 = tpu.memref_slice %arg11[%dma_start3A_28, %dma_start3A_29] : memref<10000x128xf32, #tpu.memory_space<vmem_shared>> -> memref<10000x128xf32, #tpu.memory_space<vmem_shared>>
      tpu.enqueue_indirect_dma source(%arg9 : memref<80x128xf32, #tpu.memory_space<vmem>>) target(%dma_start3A_30 : memref<10000x128xf32, #tpu.memory_space<vmem_shared>>) offsets(%dma_start3A_27 : memref<80xi32, #tpu.memory_space<vmem>>) semaphore(%run_scoped3A : memref<!tpu.dma_semaphore, #tpu.memory_space<semaphore_mem>>) {add = true}
      %dma_wait3A_31 = arith.constant 9920 : i32
      %dma_wait3A_32 = tpu.memref_slice %arg8[%dma_wait3A_31] : memref<10000xi32, #tpu.memory_space<vmem>> -> memref<80xi32, #tpu.memory_space<vmem>>
      %dma_wait3A_33 = arith.constant 0 : i32
      %dma_wait3A_34 = arith.constant 0 : i32
      %dma_wait3A_35 = tpu.memref_slice %arg11[%dma_wait3A_33, %dma_wait3A_34] : memref<10000x128xf32, #tpu.memory_space<vmem_shared>> -> memref<10000x128xf32, #tpu.memory_space<vmem_shared>>
      tpu.wait_indirect_dma semaphore(%run_scoped3A : memref<!tpu.dma_semaphore, #tpu.memory_space<semaphore_mem>>) src(%arg9 : memref<80x128xf32, #tpu.memory_space<vmem>>) dst(%dma_wait3A_35 : memref<10000x128xf32, #tpu.memory_space<vmem_shared>>)
      tpu.yield
    }) : () -> ()
    %barrier3A_20 = arith.constant 0 : index
    tpu.barrier barrier_id(%barrier3A_20)
    %lt3A_21 = arith.constant 10 : i32
    %lt3A_22 = arith.cmpi slt, %arg1, %lt3A_21 : i32
    %convert_element_type3A_23 = arith.extui %lt3A_22 : i1 to i32
    %cond3A_24 = arith.constant 0 : i32
    %cond3A_25 = arith.cmpi ne, %convert_element_type3A_23, %cond3A_24 : i32
    scf.if %cond3A_25 {
      %mul3A_26 = arith.constant 10000 : i32
      %mul3A_27 = arith.muli %arg0, %mul3A_26 : i32
      %mul3A_28 = arith.constant 1000 : i32
      %mul3A_29 = arith.muli %arg1, %mul3A_28 : i32
      %add3A_30 = arith.addi %mul3A_27, %mul3A_29 : i32
      %mul3A_31 = arith.constant 1000 : i32
      %mul3A_32 = arith.muli %arg1, %mul3A_31 : i32
      "tpu.region"() ({
        %run_scoped3A = tpu.sem_alloc : memref<!tpu.dma_semaphore, #tpu.memory_space<semaphore_mem>>
        %dma_start3A_33 = arith.constant 0 : i32
        %dma_start3A_34 = tpu.memref_slice %arg6[%add3A_30, %dma_start3A_33] : memref<20000x128xf32, #tpu.memory_space<hbm>> -> memref<1000x128xf32, #tpu.memory_space<hbm>>
        %dma_start3A_35 = arith.constant 0 : i32
        %dma_start3A_36 = tpu.memref_slice %arg11[%mul3A_32, %dma_start3A_35] : memref<10000x128xf32, #tpu.memory_space<vmem_shared>> -> memref<1000x128xf32, #tpu.memory_space<vmem_shared>>
        tpu.enqueue_dma source(%dma_start3A_36 : memref<1000x128xf32, #tpu.memory_space<vmem_shared>>) target(%dma_start3A_34 : memref<1000x128xf32, #tpu.memory_space<hbm>>) target_semaphore(%run_scoped3A : memref<!tpu.dma_semaphore, #tpu.memory_space<semaphore_mem>>)
        %dma_wait3A_37 = arith.constant 0 : i32
        %dma_wait3A_38 = tpu.memref_slice %arg6[%add3A_30, %dma_wait3A_37] : memref<20000x128xf32, #tpu.memory_space<hbm>> -> memref<1000x128xf32, #tpu.memory_space<hbm>>
        %dma_wait3A_39 = arith.constant 0 : i32
        %dma_wait3A_40 = tpu.memref_slice %arg11[%mul3A_32, %dma_wait3A_39] : memref<10000x128xf32, #tpu.memory_space<vmem_shared>> -> memref<1000x128xf32, #tpu.memory_space<vmem_shared>>
        tpu.wait_dma2 semaphore(%run_scoped3A : memref<!tpu.dma_semaphore, #tpu.memory_space<semaphore_mem>>) src(%dma_wait3A_40 : memref<1000x128xf32, #tpu.memory_space<vmem_shared>>) dst(%dma_wait3A_38 : memref<1000x128xf32, #tpu.memory_space<hbm>>)
        tpu.yield
      }) : () -> ()
    } else {
    }
    return
  }
}

#map = affine_map<(d0, d1) -> (0)>
#map1 = affine_map<(d0, d1) -> (0, 0)>
module attributes {stable_mosaic.version = 14 : i64} {
  func.func @_cnt_body(%arg0: i32, %arg1: i32, %arg2: memref<320000xi32, #tpu.memory_space<hbm>>, %arg3: memref<1000x16xf32, #tpu.memory_space<hbm>>, %arg4: memref<20000x16xf32, #tpu.memory_space<hbm>>, %arg5: memref<10000xi32, #tpu.memory_space<vmem>>, %arg6: memref<80x16xf32, #tpu.memory_space<vmem>>, %arg7: memref<10000x16xf32, #tpu.memory_space<vmem_shared>>) attributes {dimension_semantics = [#tpu.dimension_semantics<core_parallel>, #tpu.dimension_semantics<subcore_parallel>], iteration_bounds = array<i64: 2, 16>, scalar_prefetch = 0 : i64, scratch_operands = 3 : i64, tpu.core_type = #tpu.core_type<sc_vector_subcore>, window_params = [{transform_indices = #map}, {transform_indices = #map1}, {transform_indices = #map1}]} {
    %mul3A = arith.constant 2 : i32
    %mul3A_0 = arith.muli %arg1, %mul3A : i32
    %add3A = arith.addi %mul3A_0, %arg0 : i32
    %lt3A = arith.constant 10 : i32
    %lt3A_1 = arith.cmpi slt, %arg1, %lt3A : i32
    %convert_element_type3A = arith.extui %lt3A_1 : i1 to i32
    %cond3A = arith.constant 0 : i32
    %cond3A_2 = arith.cmpi ne, %convert_element_type3A, %cond3A : i32
    scf.if %cond3A_2 {
      %mul3A_23 = arith.constant 1000 : i32
      %mul3A_24 = arith.muli %arg1, %mul3A_23 : i32
      "tpu.region"() ({
        %run_scoped3A = tpu.sem_alloc : memref<!tpu.dma_semaphore, #tpu.memory_space<semaphore_mem>>
        %dma_start3A = arith.constant 0 : i32
        %dma_start3A_25 = tpu.memref_slice %arg7[%mul3A_24, %dma_start3A] : memref<10000x16xf32, #tpu.memory_space<vmem_shared>> -> memref<1000x16xf32, #tpu.memory_space<vmem_shared>>
        tpu.enqueue_dma source(%arg3 : memref<1000x16xf32, #tpu.memory_space<hbm>>) target(%dma_start3A_25 : memref<1000x16xf32, #tpu.memory_space<vmem_shared>>) target_semaphore(%run_scoped3A : memref<!tpu.dma_semaphore, #tpu.memory_space<semaphore_mem>>)
        %dma_wait3A = arith.constant 0 : i32
        %dma_wait3A_26 = tpu.memref_slice %arg7[%mul3A_24, %dma_wait3A] : memref<10000x16xf32, #tpu.memory_space<vmem_shared>> -> memref<1000x16xf32, #tpu.memory_space<vmem_shared>>
        tpu.wait_dma2 semaphore(%run_scoped3A : memref<!tpu.dma_semaphore, #tpu.memory_space<semaphore_mem>>) src(%arg3 : memref<1000x16xf32, #tpu.memory_space<hbm>>) dst(%dma_wait3A_26 : memref<1000x16xf32, #tpu.memory_space<vmem_shared>>)
        tpu.yield
      }) : () -> ()
    } else {
    }
    %mul3A_3 = arith.constant 10000 : i32
    %mul3A_4 = arith.muli %add3A, %mul3A_3 : i32
    "tpu.region"() ({
      %run_scoped3A = tpu.sem_alloc : memref<!tpu.dma_semaphore, #tpu.memory_space<semaphore_mem>>
      %dma_start3A = tpu.memref_slice %arg2[%mul3A_4] : memref<320000xi32, #tpu.memory_space<hbm>> -> memref<10000xi32, #tpu.memory_space<hbm>>
      %dma_start3A_23 = tpu.memref_slice %arg2[%mul3A_4] : memref<320000xi32, #tpu.memory_space<hbm>> -> memref<10000xi32, #tpu.memory_space<hbm>>
      tpu.enqueue_dma source(%dma_start3A_23 : memref<10000xi32, #tpu.memory_space<hbm>>) target(%arg5 : memref<10000xi32, #tpu.memory_space<vmem>>) target_semaphore(%run_scoped3A : memref<!tpu.dma_semaphore, #tpu.memory_space<semaphore_mem>>)
      %dma_wait3A = tpu.memref_slice %arg2[%mul3A_4] : memref<320000xi32, #tpu.memory_space<hbm>> -> memref<10000xi32, #tpu.memory_space<hbm>>
      %dma_wait3A_24 = tpu.memref_slice %arg2[%mul3A_4] : memref<320000xi32, #tpu.memory_space<hbm>> -> memref<10000xi32, #tpu.memory_space<hbm>>
      tpu.wait_dma2 semaphore(%run_scoped3A : memref<!tpu.dma_semaphore, #tpu.memory_space<semaphore_mem>>) src(%dma_wait3A_24 : memref<10000xi32, #tpu.memory_space<hbm>>) dst(%arg5 : memref<10000xi32, #tpu.memory_space<vmem>>)
      tpu.yield
    }) : () -> ()
    %broadcast_in_dim3A = arith.constant 1.000000e+00 : f32
    %broadcast_in_dim3A_5 = vector.broadcast %broadcast_in_dim3A : f32 to vector<16xf32>
    %scan3A = arith.constant 0 : i32
    %scan3A_6 = arith.constant 0 : i32
    %scan3A_7 = arith.constant 80 : i32
    %scan3A_8 = arith.addi %scan3A_6, %scan3A_7 : i32
    %scan3A_9 = arith.constant 1 : i32
    scf.for %scan3A_23 = %scan3A_6 to %scan3A_8 step %scan3A_9  : i32 {
      %swap3A = arith.index_cast %scan3A_23 : i32 to index
      %swap3A_24 = arith.constant 0 : index
      %swap3A_25 = tpu.vector_load %arg6[%swap3A, %swap3A_24] {strides = array<i32>} : memref<80x16xf32, #tpu.memory_space<vmem>>, vector<1x16xf32>,
      %swap3A_26 = vector.shape_cast %swap3A_25 : vector<1x16xf32> to vector<16xf32>
      %swap3A_27 = vector.shape_cast %broadcast_in_dim3A_5 : vector<16xf32> to vector<1x16xf32>
      tpu.vector_store %arg6[%swap3A, %swap3A_24], %swap3A_27 {strides = array<i32>} : memref<80x16xf32, #tpu.memory_space<vmem>>, vector<1x16xf32>,
    }
    %scan3A_10 = arith.constant 80 : i32
    %barrier3A = arith.constant 0 : index
    tpu.barrier barrier_id(%barrier3A)
    %scan3A_11 = arith.constant 0 : i32
    %scan3A_12 = arith.constant 0 : i32
    %scan3A_13 = arith.constant 125 : i32
    %scan3A_14 = arith.addi %scan3A_12, %scan3A_13 : i32
    %scan3A_15 = arith.constant 1 : i32
    scf.for %scan3A_23 = %scan3A_12 to %scan3A_14 step %scan3A_15  : i32 {
      %mul3A_24 = arith.constant 80 : i32
      %mul3A_25 = arith.muli %scan3A_23, %mul3A_24 : i32
      "tpu.region"() ({
        %run_scoped3A = tpu.sem_alloc : memref<!tpu.dma_semaphore, #tpu.memory_space<semaphore_mem>>
        %dma_start3A = tpu.memref_slice %arg5[%mul3A_25] : memref<10000xi32, #tpu.memory_space<vmem>> -> memref<80xi32, #tpu.memory_space<vmem>>
        %dma_start3A_26 = arith.constant 0 : i32
        %dma_start3A_27 = arith.constant 0 : i32
        %dma_start3A_28 = tpu.memref_slice %arg7[%dma_start3A_26, %dma_start3A_27] : memref<10000x16xf32, #tpu.memory_space<vmem_shared>> -> memref<10000x16xf32, #tpu.memory_space<vmem_shared>>
        tpu.enqueue_indirect_dma source(%arg6 : memref<80x16xf32, #tpu.memory_space<vmem>>) target(%dma_start3A_28 : memref<10000x16xf32, #tpu.memory_space<vmem_shared>>) offsets(%dma_start3A : memref<80xi32, #tpu.memory_space<vmem>>) semaphore(%run_scoped3A : memref<!tpu.dma_semaphore, #tpu.memory_space<semaphore_mem>>) {add = true}
        %dma_wait3A = tpu.memref_slice %arg5[%mul3A_25] : memref<10000xi32, #tpu.memory_space<vmem>> -> memref<80xi32, #tpu.memory_space<vmem>>
        %dma_wait3A_29 = arith.constant 0 : i32
        %dma_wait3A_30 = arith.constant 0 : i32
        %dma_wait3A_31 = tpu.memref_slice %arg7[%dma_wait3A_29, %dma_wait3A_30] : memref<10000x16xf32, #tpu.memory_space<vmem_shared>> -> memref<10000x16xf32, #tpu.memory_space<vmem_shared>>
        tpu.wait_indirect_dma semaphore(%run_scoped3A : memref<!tpu.dma_semaphore, #tpu.memory_space<semaphore_mem>>) src(%arg6 : memref<80x16xf32, #tpu.memory_space<vmem>>) dst(%dma_wait3A_31 : memref<10000x16xf32, #tpu.memory_space<vmem_shared>>)
        tpu.yield
      }) : () -> ()
    }
    %scan3A_16 = arith.constant 125 : i32
    %barrier3A_17 = arith.constant 0 : index
    tpu.barrier barrier_id(%barrier3A_17)
    %lt3A_18 = arith.constant 10 : i32
    %lt3A_19 = arith.cmpi slt, %arg1, %lt3A_18 : i32
    %convert_element_type3A_20 = arith.extui %lt3A_19 : i1 to i32
    %cond3A_21 = arith.constant 0 : i32
    %cond3A_22 = arith.cmpi ne, %convert_element_type3A_20, %cond3A_21 : i32
    scf.if %cond3A_22 {
      %mul3A_23 = arith.constant 10000 : i32
      %mul3A_24 = arith.muli %arg0, %mul3A_23 : i32
      %mul3A_25 = arith.constant 1000 : i32
      %mul3A_26 = arith.muli %arg1, %mul3A_25 : i32
      %add3A_27 = arith.addi %mul3A_24, %mul3A_26 : i32
      %mul3A_28 = arith.constant 1000 : i32
      %mul3A_29 = arith.muli %arg1, %mul3A_28 : i32
      "tpu.region"() ({
        %run_scoped3A = tpu.sem_alloc : memref<!tpu.dma_semaphore, #tpu.memory_space<semaphore_mem>>
        %dma_start3A = arith.constant 0 : i32
        %dma_start3A_30 = tpu.memref_slice %arg4[%add3A_27, %dma_start3A] : memref<20000x16xf32, #tpu.memory_space<hbm>> -> memref<1000x16xf32, #tpu.memory_space<hbm>>
        %dma_start3A_31 = arith.constant 0 : i32
        %dma_start3A_32 = tpu.memref_slice %arg7[%mul3A_29, %dma_start3A_31] : memref<10000x16xf32, #tpu.memory_space<vmem_shared>> -> memref<1000x16xf32, #tpu.memory_space<vmem_shared>>
        tpu.enqueue_dma source(%dma_start3A_32 : memref<1000x16xf32, #tpu.memory_space<vmem_shared>>) target(%dma_start3A_30 : memref<1000x16xf32, #tpu.memory_space<hbm>>) target_semaphore(%run_scoped3A : memref<!tpu.dma_semaphore, #tpu.memory_space<semaphore_mem>>)
        %dma_wait3A = arith.constant 0 : i32
        %dma_wait3A_33 = tpu.memref_slice %arg4[%add3A_27, %dma_wait3A] : memref<20000x16xf32, #tpu.memory_space<hbm>> -> memref<1000x16xf32, #tpu.memory_space<hbm>>
        %dma_wait3A_34 = arith.constant 0 : i32
        %dma_wait3A_35 = tpu.memref_slice %arg7[%mul3A_29, %dma_wait3A_34] : memref<10000x16xf32, #tpu.memory_space<vmem_shared>> -> memref<1000x16xf32, #tpu.memory_space<vmem_shared>>
        tpu.wait_dma2 semaphore(%run_scoped3A : memref<!tpu.dma_semaphore, #tpu.memory_space<semaphore_mem>>) src(%dma_wait3A_35 : memref<1000x16xf32, #tpu.memory_space<vmem_shared>>) dst(%dma_wait3A_33 : memref<1000x16xf32, #tpu.memory_space<hbm>>)
        tpu.yield
      }) : () -> ()
    } else {
    }
    return
  }
}

#map = affine_map<(d0, d1) -> (0, 0)>
#map1 = affine_map<(d0, d1) -> (0)>
module attributes {stable_mosaic.version = 14 : i64} {
  func.func @body(%arg0: i32, %arg1: i32, %arg2: memref<10000x128xf32, #tpu.memory_space<hbm>>, %arg3: memref<320000xi32, #tpu.memory_space<hbm>>, %arg4: memref<320000xi32, #tpu.memory_space<hbm>>, %arg5: memref<1000x128xf32, #tpu.memory_space<hbm>>, %arg6: memref<20000x128xf32, #tpu.memory_space<hbm>>, %arg7: memref<10000xi32, #tpu.memory_space<vmem>>, %arg8: memref<10000xi32, #tpu.memory_space<vmem>>, %arg9: memref<80x128xf32, #tpu.memory_space<vmem>>, %arg10: memref<80x128xf32, #tpu.memory_space<vmem>>, %arg11: memref<10000x128xf32, #tpu.memory_space<vmem_shared>>, %arg12: memref<!tpu.dma_semaphore, #tpu.memory_space<semaphore_mem>>, %arg13: memref<!tpu.dma_semaphore, #tpu.memory_space<semaphore_mem>>) attributes {dimension_semantics = [#tpu.dimension_semantics<core_parallel>, #tpu.dimension_semantics<subcore_parallel>], iteration_bounds = array<i64: 2, 16>, scalar_prefetch = 0 : i64, scratch_operands = 7 : i64, tpu.core_type = #tpu.core_type<sc_vector_subcore>, window_params = [{transform_indices = #map}, {transform_indices = #map1}, {transform_indices = #map1}, {transform_indices = #map}, {transform_indices = #map}]} {
    %mul3A = arith.constant 2 : i32
    %mul3A_0 = arith.muli %arg1, %mul3A : i32
    %add3A = arith.addi %mul3A_0, %arg0 : i32
    %lt3A = arith.constant 10 : i32
    %lt3A_1 = arith.cmpi slt, %arg1, %lt3A : i32
    %convert_element_type3A = arith.extui %lt3A_1 : i1 to i32
    %cond3A = arith.constant 0 : i32
    %cond3A_2 = arith.cmpi ne, %convert_element_type3A, %cond3A : i32
    scf.if %cond3A_2 {
      %mul3A_26 = arith.constant 1000 : i32
      %mul3A_27 = arith.muli %arg1, %mul3A_26 : i32
      "tpu.region"() ({
        %run_scoped3A = tpu.sem_alloc : memref<!tpu.dma_semaphore, #tpu.memory_space<semaphore_mem>>
        %dma_start3A_28 = arith.constant 0 : i32
        %dma_start3A_29 = tpu.memref_slice %arg11[%mul3A_27, %dma_start3A_28] : memref<10000x128xf32, #tpu.memory_space<vmem_shared>> -> memref<1000x128xf32, #tpu.memory_space<vmem_shared>>
        tpu.enqueue_dma source(%arg5 : memref<1000x128xf32, #tpu.memory_space<hbm>>) target(%dma_start3A_29 : memref<1000x128xf32, #tpu.memory_space<vmem_shared>>) target_semaphore(%run_scoped3A : memref<!tpu.dma_semaphore, #tpu.memory_space<semaphore_mem>>)
        %dma_wait3A_30 = arith.constant 0 : i32
        %dma_wait3A_31 = tpu.memref_slice %arg11[%mul3A_27, %dma_wait3A_30] : memref<10000x128xf32, #tpu.memory_space<vmem_shared>> -> memref<1000x128xf32, #tpu.memory_space<vmem_shared>>
        tpu.wait_dma2 semaphore(%run_scoped3A : memref<!tpu.dma_semaphore, #tpu.memory_space<semaphore_mem>>) src(%arg5 : memref<1000x128xf32, #tpu.memory_space<hbm>>) dst(%dma_wait3A_31 : memref<1000x128xf32, #tpu.memory_space<vmem_shared>>)
        tpu.yield
      }) : () -> ()
    } else {
    }
    %mul3A_3 = arith.constant 10000 : i32
    %mul3A_4 = arith.muli %add3A, %mul3A_3 : i32
    "tpu.region"() ({
      %run_scoped3A = tpu.sem_alloc : memref<!tpu.dma_semaphore, #tpu.memory_space<semaphore_mem>>
      %dma_start3A_26 = tpu.memref_slice %arg3[%mul3A_4] : memref<320000xi32, #tpu.memory_space<hbm>> -> memref<10000xi32, #tpu.memory_space<hbm>>
      %dma_start3A_27 = tpu.memref_slice %arg3[%mul3A_4] : memref<320000xi32, #tpu.memory_space<hbm>> -> memref<10000xi32, #tpu.memory_space<hbm>>
      tpu.enqueue_dma source(%dma_start3A_27 : memref<10000xi32, #tpu.memory_space<hbm>>) target(%arg7 : memref<10000xi32, #tpu.memory_space<vmem>>) target_semaphore(%run_scoped3A : memref<!tpu.dma_semaphore, #tpu.memory_space<semaphore_mem>>)
      %dma_wait3A_28 = tpu.memref_slice %arg3[%mul3A_4] : memref<320000xi32, #tpu.memory_space<hbm>> -> memref<10000xi32, #tpu.memory_space<hbm>>
      %dma_wait3A_29 = tpu.memref_slice %arg3[%mul3A_4] : memref<320000xi32, #tpu.memory_space<hbm>> -> memref<10000xi32, #tpu.memory_space<hbm>>
      tpu.wait_dma2 semaphore(%run_scoped3A : memref<!tpu.dma_semaphore, #tpu.memory_space<semaphore_mem>>) src(%dma_wait3A_29 : memref<10000xi32, #tpu.memory_space<hbm>>) dst(%arg7 : memref<10000xi32, #tpu.memory_space<vmem>>)
      tpu.yield
    }) : () -> ()
    %mul3A_5 = arith.constant 10000 : i32
    %mul3A_6 = arith.muli %add3A, %mul3A_5 : i32
    "tpu.region"() ({
      %run_scoped3A = tpu.sem_alloc : memref<!tpu.dma_semaphore, #tpu.memory_space<semaphore_mem>>
      %dma_start3A_26 = tpu.memref_slice %arg4[%mul3A_6] : memref<320000xi32, #tpu.memory_space<hbm>> -> memref<10000xi32, #tpu.memory_space<hbm>>
      %dma_start3A_27 = tpu.memref_slice %arg4[%mul3A_6] : memref<320000xi32, #tpu.memory_space<hbm>> -> memref<10000xi32, #tpu.memory_space<hbm>>
      tpu.enqueue_dma source(%dma_start3A_27 : memref<10000xi32, #tpu.memory_space<hbm>>) target(%arg8 : memref<10000xi32, #tpu.memory_space<vmem>>) target_semaphore(%run_scoped3A : memref<!tpu.dma_semaphore, #tpu.memory_space<semaphore_mem>>)
      %dma_wait3A_28 = tpu.memref_slice %arg4[%mul3A_6] : memref<320000xi32, #tpu.memory_space<hbm>> -> memref<10000xi32, #tpu.memory_space<hbm>>
      %dma_wait3A_29 = tpu.memref_slice %arg4[%mul3A_6] : memref<320000xi32, #tpu.memory_space<hbm>> -> memref<10000xi32, #tpu.memory_space<hbm>>
      tpu.wait_dma2 semaphore(%run_scoped3A : memref<!tpu.dma_semaphore, #tpu.memory_space<semaphore_mem>>) src(%dma_wait3A_29 : memref<10000xi32, #tpu.memory_space<hbm>>) dst(%arg8 : memref<10000xi32, #tpu.memory_space<vmem>>)
      tpu.yield
    }) : () -> ()
    %barrier3A = arith.constant 0 : index
    tpu.barrier barrier_id(%barrier3A)
    %dma_start3A = arith.constant 0 : i32
    %dma_start3A_7 = tpu.memref_slice %arg7[%dma_start3A] : memref<10000xi32, #tpu.memory_space<vmem>> -> memref<80xi32, #tpu.memory_space<vmem>>
    %dma_start3A_8 = arith.constant 0 : i32
    %dma_start3A_9 = arith.constant 0 : i32
    %dma_start3A_10 = tpu.memref_slice %arg2[%dma_start3A_8, %dma_start3A_9] : memref<10000x128xf32, #tpu.memory_space<hbm>> -> memref<10000x128xf32, #tpu.memory_space<hbm>>
    tpu.enqueue_indirect_dma source(%dma_start3A_10 : memref<10000x128xf32, #tpu.memory_space<hbm>>) target(%arg9 : memref<80x128xf32, #tpu.memory_space<vmem>>) offsets(%dma_start3A_7 : memref<80xi32, #tpu.memory_space<vmem>>) semaphore(%arg12 : memref<!tpu.dma_semaphore, #tpu.memory_space<semaphore_mem>>)
    %scan3A = arith.constant 0 : i32
    %scan3A_11 = arith.constant 0 : i32
    %scan3A_12 = arith.constant 62 : i32
    %scan3A_13 = arith.addi %scan3A_11, %scan3A_12 : i32
    %scan3A_14 = arith.constant 1 : i32
    scf.for %scan3A_26 = %scan3A_11 to %scan3A_13 step %scan3A_14  : i32 {
      %mul3A_27 = arith.constant 2 : i32
      %mul3A_28 = arith.muli %mul3A_27, %scan3A_26 : i32
      %add3A_29 = arith.constant 1 : i32
      %add3A_30 = arith.addi %mul3A_28, %add3A_29 : i32
      %mul3A_31 = arith.constant 80 : i32
      %mul3A_32 = arith.muli %add3A_30, %mul3A_31 : i32
      %dma_start3A_33 = tpu.memref_slice %arg7[%mul3A_32] : memref<10000xi32, #tpu.memory_space<vmem>> -> memref<80xi32, #tpu.memory_space<vmem>>
      %dma_start3A_34 = arith.constant 0 : i32
      %dma_start3A_35 = arith.constant 0 : i32
      %dma_start3A_36 = tpu.memref_slice %arg2[%dma_start3A_34, %dma_start3A_35] : memref<10000x128xf32, #tpu.memory_space<hbm>> -> memref<10000x128xf32, #tpu.memory_space<hbm>>
      tpu.enqueue_indirect_dma source(%dma_start3A_36 : memref<10000x128xf32, #tpu.memory_space<hbm>>) target(%arg10 : memref<80x128xf32, #tpu.memory_space<vmem>>) offsets(%dma_start3A_33 : memref<80xi32, #tpu.memory_space<vmem>>) semaphore(%arg13 : memref<!tpu.dma_semaphore, #tpu.memory_space<semaphore_mem>>)
      %mul3A_37 = arith.constant 80 : i32
      %mul3A_38 = arith.muli %mul3A_28, %mul3A_37 : i32
      %dma_wait3A_39 = tpu.memref_slice %arg7[%mul3A_38] : memref<10000xi32, #tpu.memory_space<vmem>> -> memref<80xi32, #tpu.memory_space<vmem>>
      %dma_wait3A_40 = arith.constant 0 : i32
      %dma_wait3A_41 = arith.constant 0 : i32
      %dma_wait3A_42 = tpu.memref_slice %arg2[%dma_wait3A_40, %dma_wait3A_41] : memref<10000x128xf32, #tpu.memory_space<hbm>> -> memref<10000x128xf32, #tpu.memory_space<hbm>>
      tpu.wait_indirect_dma semaphore(%arg12 : memref<!tpu.dma_semaphore, #tpu.memory_space<semaphore_mem>>) src(%dma_wait3A_42 : memref<10000x128xf32, #tpu.memory_space<hbm>>) dst(%arg9 : memref<80x128xf32, #tpu.memory_space<vmem>>)
      %mul3A_43 = arith.constant 80 : i32
      %mul3A_44 = arith.muli %mul3A_28, %mul3A_43 : i32
      "tpu.region"() ({
        %run_scoped3A = tpu.sem_alloc : memref<!tpu.dma_semaphore, #tpu.memory_space<semaphore_mem>>
        %dma_start3A_65 = tpu.memref_slice %arg8[%mul3A_44] : memref<10000xi32, #tpu.memory_space<vmem>> -> memref<80xi32, #tpu.memory_space<vmem>>
        %dma_start3A_66 = arith.constant 0 : i32
        %dma_start3A_67 = arith.constant 0 : i32
        %dma_start3A_68 = tpu.memref_slice %arg11[%dma_start3A_66, %dma_start3A_67] : memref<10000x128xf32, #tpu.memory_space<vmem_shared>> -> memref<10000x128xf32, #tpu.memory_space<vmem_shared>>
        tpu.enqueue_indirect_dma source(%arg9 : memref<80x128xf32, #tpu.memory_space<vmem>>) target(%dma_start3A_68 : memref<10000x128xf32, #tpu.memory_space<vmem_shared>>) offsets(%dma_start3A_65 : memref<80xi32, #tpu.memory_space<vmem>>) semaphore(%run_scoped3A : memref<!tpu.dma_semaphore, #tpu.memory_space<semaphore_mem>>) {add = true}
        %dma_wait3A_69 = tpu.memref_slice %arg8[%mul3A_44] : memref<10000xi32, #tpu.memory_space<vmem>> -> memref<80xi32, #tpu.memory_space<vmem>>
        %dma_wait3A_70 = arith.constant 0 : i32
        %dma_wait3A_71 = arith.constant 0 : i32
        %dma_wait3A_72 = tpu.memref_slice %arg11[%dma_wait3A_70, %dma_wait3A_71] : memref<10000x128xf32, #tpu.memory_space<vmem_shared>> -> memref<10000x128xf32, #tpu.memory_space<vmem_shared>>
        tpu.wait_indirect_dma semaphore(%run_scoped3A : memref<!tpu.dma_semaphore, #tpu.memory_space<semaphore_mem>>) src(%arg9 : memref<80x128xf32, #tpu.memory_space<vmem>>) dst(%dma_wait3A_72 : memref<10000x128xf32, #tpu.memory_space<vmem_shared>>)
        tpu.yield
      }) : () -> ()
      %add3A_45 = arith.constant 2 : i32
      %add3A_46 = arith.addi %mul3A_28, %add3A_45 : i32
      %mul3A_47 = arith.constant 80 : i32
      %mul3A_48 = arith.muli %add3A_46, %mul3A_47 : i32
      %dma_start3A_49 = tpu.memref_slice %arg7[%mul3A_48] : memref<10000xi32, #tpu.memory_space<vmem>> -> memref<80xi32, #tpu.memory_space<vmem>>
      %dma_start3A_50 = arith.constant 0 : i32
      %dma_start3A_51 = arith.constant 0 : i32
      %dma_start3A_52 = tpu.memref_slice %arg2[%dma_start3A_50, %dma_start3A_51] : memref<10000x128xf32, #tpu.memory_space<hbm>> -> memref<10000x128xf32, #tpu.memory_space<hbm>>
      tpu.enqueue_indirect_dma source(%dma_start3A_52 : memref<10000x128xf32, #tpu.memory_space<hbm>>) target(%arg9 : memref<80x128xf32, #tpu.memory_space<vmem>>) offsets(%dma_start3A_49 : memref<80xi32, #tpu.memory_space<vmem>>) semaphore(%arg12 : memref<!tpu.dma_semaphore, #tpu.memory_space<semaphore_mem>>)
      %add3A_53 = arith.constant 1 : i32
      %add3A_54 = arith.addi %mul3A_28, %add3A_53 : i32
      %mul3A_55 = arith.constant 80 : i32
      %mul3A_56 = arith.muli %add3A_54, %mul3A_55 : i32
      %dma_wait3A_57 = tpu.memref_slice %arg7[%mul3A_56] : memref<10000xi32, #tpu.memory_space<vmem>> -> memref<80xi32, #tpu.memory_space<vmem>>
      %dma_wait3A_58 = arith.constant 0 : i32
      %dma_wait3A_59 = arith.constant 0 : i32
      %dma_wait3A_60 = tpu.memref_slice %arg2[%dma_wait3A_58, %dma_wait3A_59] : memref<10000x128xf32, #tpu.memory_space<hbm>> -> memref<10000x128xf32, #tpu.memory_space<hbm>>
      tpu.wait_indirect_dma semaphore(%arg13 : memref<!tpu.dma_semaphore, #tpu.memory_space<semaphore_mem>>) src(%dma_wait3A_60 : memref<10000x128xf32, #tpu.memory_space<hbm>>) dst(%arg10 : memref<80x128xf32, #tpu.memory_space<vmem>>)
      %add3A_61 = arith.constant 1 : i32
      %add3A_62 = arith.addi %mul3A_28, %add3A_61 : i32
      %mul3A_63 = arith.constant 80 : i32
      %mul3A_64 = arith.muli %add3A_62, %mul3A_63 : i32
      "tpu.region"() ({
        %run_scoped3A = tpu.sem_alloc : memref<!tpu.dma_semaphore, #tpu.memory_space<semaphore_mem>>
        %dma_start3A_65 = tpu.memref_slice %arg8[%mul3A_64] : memref<10000xi32, #tpu.memory_space<vmem>> -> memref<80xi32, #tpu.memory_space<vmem>>
        %dma_start3A_66 = arith.constant 0 : i32
        %dma_start3A_67 = arith.constant 0 : i32
        %dma_start3A_68 = tpu.memref_slice %arg11[%dma_start3A_66, %dma_start3A_67] : memref<10000x128xf32, #tpu.memory_space<vmem_shared>> -> memref<10000x128xf32, #tpu.memory_space<vmem_shared>>
        tpu.enqueue_indirect_dma source(%arg10 : memref<80x128xf32, #tpu.memory_space<vmem>>) target(%dma_start3A_68 : memref<10000x128xf32, #tpu.memory_space<vmem_shared>>) offsets(%dma_start3A_65 : memref<80xi32, #tpu.memory_space<vmem>>) semaphore(%run_scoped3A : memref<!tpu.dma_semaphore, #tpu.memory_space<semaphore_mem>>) {add = true}
        %dma_wait3A_69 = tpu.memref_slice %arg8[%mul3A_64] : memref<10000xi32, #tpu.memory_space<vmem>> -> memref<80xi32, #tpu.memory_space<vmem>>
        %dma_wait3A_70 = arith.constant 0 : i32
        %dma_wait3A_71 = arith.constant 0 : i32
        %dma_wait3A_72 = tpu.memref_slice %arg11[%dma_wait3A_70, %dma_wait3A_71] : memref<10000x128xf32, #tpu.memory_space<vmem_shared>> -> memref<10000x128xf32, #tpu.memory_space<vmem_shared>>
        tpu.wait_indirect_dma semaphore(%run_scoped3A : memref<!tpu.dma_semaphore, #tpu.memory_space<semaphore_mem>>) src(%arg10 : memref<80x128xf32, #tpu.memory_space<vmem>>) dst(%dma_wait3A_72 : memref<10000x128xf32, #tpu.memory_space<vmem_shared>>)
        tpu.yield
      }) : () -> ()
    }
    %scan3A_15 = arith.constant 62 : i32
    %dma_wait3A = arith.constant 9920 : i32
    %dma_wait3A_16 = tpu.memref_slice %arg7[%dma_wait3A] : memref<10000xi32, #tpu.memory_space<vmem>> -> memref<80xi32, #tpu.memory_space<vmem>>
    %dma_wait3A_17 = arith.constant 0 : i32
    %dma_wait3A_18 = arith.constant 0 : i32
    %dma_wait3A_19 = tpu.memref_slice %arg2[%dma_wait3A_17, %dma_wait3A_18] : memref<10000x128xf32, #tpu.memory_space<hbm>> -> memref<10000x128xf32, #tpu.memory_space<hbm>>
    tpu.wait_indirect_dma semaphore(%arg12 : memref<!tpu.dma_semaphore, #tpu.memory_space<semaphore_mem>>) src(%dma_wait3A_19 : memref<10000x128xf32, #tpu.memory_space<hbm>>) dst(%arg9 : memref<80x128xf32, #tpu.memory_space<vmem>>)
    "tpu.region"() ({
      %run_scoped3A = tpu.sem_alloc : memref<!tpu.dma_semaphore, #tpu.memory_space<semaphore_mem>>
      %dma_start3A_26 = arith.constant 9920 : i32
      %dma_start3A_27 = tpu.memref_slice %arg8[%dma_start3A_26] : memref<10000xi32, #tpu.memory_space<vmem>> -> memref<80xi32, #tpu.memory_space<vmem>>
      %dma_start3A_28 = arith.constant 0 : i32
      %dma_start3A_29 = arith.constant 0 : i32
      %dma_start3A_30 = tpu.memref_slice %arg11[%dma_start3A_28, %dma_start3A_29] : memref<10000x128xf32, #tpu.memory_space<vmem_shared>> -> memref<10000x128xf32, #tpu.memory_space<vmem_shared>>
      tpu.enqueue_indirect_dma source(%arg9 : memref<80x128xf32, #tpu.memory_space<vmem>>) target(%dma_start3A_30 : memref<10000x128xf32, #tpu.memory_space<vmem_shared>>) offsets(%dma_start3A_27 : memref<80xi32, #tpu.memory_space<vmem>>) semaphore(%run_scoped3A : memref<!tpu.dma_semaphore, #tpu.memory_space<semaphore_mem>>) {add = true}
      %dma_wait3A_31 = arith.constant 9920 : i32
      %dma_wait3A_32 = tpu.memref_slice %arg8[%dma_wait3A_31] : memref<10000xi32, #tpu.memory_space<vmem>> -> memref<80xi32, #tpu.memory_space<vmem>>
      %dma_wait3A_33 = arith.constant 0 : i32
      %dma_wait3A_34 = arith.constant 0 : i32
      %dma_wait3A_35 = tpu.memref_slice %arg11[%dma_wait3A_33, %dma_wait3A_34] : memref<10000x128xf32, #tpu.memory_space<vmem_shared>> -> memref<10000x128xf32, #tpu.memory_space<vmem_shared>>
      tpu.wait_indirect_dma semaphore(%run_scoped3A : memref<!tpu.dma_semaphore, #tpu.memory_space<semaphore_mem>>) src(%arg9 : memref<80x128xf32, #tpu.memory_space<vmem>>) dst(%dma_wait3A_35 : memref<10000x128xf32, #tpu.memory_space<vmem_shared>>)
      tpu.yield
    }) : () -> ()
    %barrier3A_20 = arith.constant 0 : index
    tpu.barrier barrier_id(%barrier3A_20)
    %lt3A_21 = arith.constant 10 : i32
    %lt3A_22 = arith.cmpi slt, %arg1, %lt3A_21 : i32
    %convert_element_type3A_23 = arith.extui %lt3A_22 : i1 to i32
    %cond3A_24 = arith.constant 0 : i32
    %cond3A_25 = arith.cmpi ne, %convert_element_type3A_23, %cond3A_24 : i32
    scf.if %cond3A_25 {
      %mul3A_26 = arith.constant 10000 : i32
      %mul3A_27 = arith.muli %arg0, %mul3A_26 : i32
      %mul3A_28 = arith.constant 1000 : i32
      %mul3A_29 = arith.muli %arg1, %mul3A_28 : i32
      %add3A_30 = arith.addi %mul3A_27, %mul3A_29 : i32
      %mul3A_31 = arith.constant 1000 : i32
      %mul3A_32 = arith.muli %arg1, %mul3A_31 : i32
      "tpu.region"() ({
        %run_scoped3A = tpu.sem_alloc : memref<!tpu.dma_semaphore, #tpu.memory_space<semaphore_mem>>
        %dma_start3A_33 = arith.constant 0 : i32
        %dma_start3A_34 = tpu.memref_slice %arg6[%add3A_30, %dma_start3A_33] : memref<20000x128xf32, #tpu.memory_space<hbm>> -> memref<1000x128xf32, #tpu.memory_space<hbm>>
        %dma_start3A_35 = arith.constant 0 : i32
        %dma_start3A_36 = tpu.memref_slice %arg11[%mul3A_32, %dma_start3A_35] : memref<10000x128xf32, #tpu.memory_space<vmem_shared>> -> memref<1000x128xf32, #tpu.memory_space<vmem_shared>>
        tpu.enqueue_dma source(%dma_start3A_36 : memref<1000x128xf32, #tpu.memory_space<vmem_shared>>) target(%dma_start3A_34 : memref<1000x128xf32, #tpu.memory_space<hbm>>) target_semaphore(%run_scoped3A : memref<!tpu.dma_semaphore, #tpu.memory_space<semaphore_mem>>)
        %dma_wait3A_37 = arith.constant 0 : i32
        %dma_wait3A_38 = tpu.memref_slice %arg6[%add3A_30, %dma_wait3A_37] : memref<20000x128xf32, #tpu.memory_space<hbm>> -> memref<1000x128xf32, #tpu.memory_space<hbm>>
        %dma_wait3A_39 = arith.constant 0 : i32
        %dma_wait3A_40 = tpu.memref_slice %arg11[%mul3A_32, %dma_wait3A_39] : memref<10000x128xf32, #tpu.memory_space<vmem_shared>> -> memref<1000x128xf32, #tpu.memory_space<vmem_shared>>
        tpu.wait_dma2 semaphore(%run_scoped3A : memref<!tpu.dma_semaphore, #tpu.memory_space<semaphore_mem>>) src(%dma_wait3A_40 : memref<1000x128xf32, #tpu.memory_space<vmem_shared>>) dst(%dma_wait3A_38 : memref<1000x128xf32, #tpu.memory_space<hbm>>)
        tpu.yield
      }) : () -> ()
    } else {
    }
    return
  }
}

module attributes {stable_mosaic.version = 14 : i64} {
  func.func @_tc1_body(%arg0: i32, %arg1: memref<1000x128xf32, #tpu.memory_space<vmem>>, %arg2: memref<128x128xf32, #tpu.memory_space<vmem>>, %arg3: memref<128x128xf32, #tpu.memory_space<vmem>>, %arg4: memref<1x128xf32, #tpu.memory_space<vmem>>, %arg5: memref<1000x128xf32, #tpu.memory_space<vmem>>, %arg6: memref<1000x128xf32, #tpu.memory_space<vmem>>) attributes {dimension_semantics = [#tpu.dimension_semantics<arbitrary>], iteration_bounds = array<i64: 10>, scalar_prefetch = 0 : i64, scratch_operands = 0 : i64, tpu.core_type = #tpu.core_type<tc>, window_params = [{transform_indices = @transform_0, window_bounds = array<i64: 1000, 128>}, {pipeline_mode = #tpu.pipeline_mode<synchronous>, transform_indices = @transform_1, window_bounds = array<i64: 128, 128>}, {pipeline_mode = #tpu.pipeline_mode<synchronous>, transform_indices = @transform_2, window_bounds = array<i64: 128, 128>}, {pipeline_mode = #tpu.pipeline_mode<synchronous>, transform_indices = @transform_3, window_bounds = array<i64: 1, 128>}, {transform_indices = @transform_4, window_bounds = array<i64: 1000, 128>}, {transform_indices = @transform_5, window_bounds = array<i64: 1000, 128>}]} {
    %get3A = arith.constant 0 : index
    %get3A_0 = arith.constant 0 : index
    %get3A_1 = vector.load %arg1[%get3A, %get3A_0] : memref<1000x128xf32, #tpu.memory_space<vmem>>, vector<1000x128xf32>
    %get3A_2 = arith.constant 0 : index
    %get3A_3 = arith.constant 0 : index
    %get3A_4 = vector.load %arg2[%get3A_2, %get3A_3] : memref<128x128xf32, #tpu.memory_space<vmem>>, vector<128x128xf32>
    %dot_general3A = arith.constant dense<0.000000e+00> : vector<1000x128xf32>
    %dot_general3A_5 = tpu.matmul %get3A_1, %get3A_4, %dot_general3A {dimension_numbers = #tpu.dot_dimension_numbers<[1], [0], [0], [1], [0, 0, 1, 1], [], []>, transpose_lhs_hint = false} : vector<1000x128xf32>, vector<128x128xf32>, vector<1000x128xf32> -> vector<1000x128xf32>
    %swap3A = arith.constant 0 : index
    %swap3A_6 = arith.constant 0 : index
    %swap3A_7 = vector.load %arg5[%swap3A, %swap3A_6] : memref<1000x128xf32, #tpu.memory_space<vmem>>, vector<1000x128xf32>
    tpu.vector_store %arg5[%swap3A, %swap3A_6], %dot_general3A_5 {strides = array<i32>} : memref<1000x128xf32, #tpu.memory_space<vmem>>, vector<1000x128xf32>,
    %get3A_8 = arith.constant 0 : index
    %get3A_9 = arith.constant 0 : index
    %get3A_10 = vector.load %arg3[%get3A_8, %get3A_9] : memref<128x128xf32, #tpu.memory_space<vmem>>, vector<128x128xf32>
    %dot_general3A_11 = arith.constant dense<0.000000e+00> : vector<1000x128xf32>
    %dot_general3A_12 = tpu.matmul %get3A_1, %get3A_10, %dot_general3A_11 {dimension_numbers = #tpu.dot_dimension_numbers<[1], [0], [0], [1], [0, 0, 1, 1], [], []>, transpose_lhs_hint = false} : vector<1000x128xf32>, vector<128x128xf32>, vector<1000x128xf32> -> vector<1000x128xf32>
    %get3A_13 = arith.constant 0 : index
    %get3A_14 = arith.constant 0 : index
    %get3A_15 = vector.load %arg4[%get3A_13, %get3A_14] : memref<1x128xf32, #tpu.memory_space<vmem>>, vector<1x128xf32>
    %add3A = vector.broadcast %get3A_15 : vector<1x128xf32> to vector<1000x128xf32>
    %add3A_16 = arith.addf %dot_general3A_12, %add3A : vector<1000x128xf32>
    %swap3A_17 = arith.constant 0 : index
    %swap3A_18 = arith.constant 0 : index
    %swap3A_19 = vector.load %arg6[%swap3A_17, %swap3A_18] : memref<1000x128xf32, #tpu.memory_space<vmem>>, vector<1000x128xf32>
    tpu.vector_store %arg6[%swap3A_17, %swap3A_18], %add3A_16 {strides = array<i32>} : memref<1000x128xf32, #tpu.memory_space<vmem>>, vector<1000x128xf32>,
    return
  }
  func.func @transform_0(%arg0: i32) -> (i32, i32) {
    %c0_i32 = arith.constant 0 : i32
    %c0_i32_0 = arith.constant 0 : i32
    return %arg0, %c0_i32 : i32, i32
  }
  func.func @transform_1(%arg0: i32) -> (i32, i32) {
    %c0_i32 = arith.constant 0 : i32
    %c0_i32_0 = arith.constant 0 : i32
    %c0_i32_1 = arith.constant 0 : i32
    return %c0_i32, %c0_i32_0 : i32, i32
  }
  func.func @transform_2(%arg0: i32) -> (i32, i32) {
    %c0_i32 = arith.constant 0 : i32
    %c0_i32_0 = arith.constant 0 : i32
    %c0_i32_1 = arith.constant 0 : i32
    return %c0_i32, %c0_i32_0 : i32, i32
  }
  func.func @transform_3(%arg0: i32) -> (i32, i32) {
    %c0_i32 = arith.constant 0 : i32
    %c0_i32_0 = arith.constant 0 : i32
    %c0_i32_1 = arith.constant 0 : i32
    return %c0_i32, %c0_i32_0 : i32, i32
  }
  func.func @transform_4(%arg0: i32) -> (i32, i32) {
    %c0_i32 = arith.constant 0 : i32
    %c0_i32_0 = arith.constant 0 : i32
    return %arg0, %c0_i32 : i32, i32
  }
  func.func @transform_5(%arg0: i32) -> (i32, i32) {
    %c0_i32 = arith.constant 0 : i32
    %c0_i32_0 = arith.constant 0 : i32
    return %arg0, %c0_i32 : i32, i32
  }
}

module attributes {stable_mosaic.version = 14 : i64} {
  func.func @_tc2_body(%arg0: i32, %arg1: memref<1000x128xf32, #tpu.memory_space<vmem>>, %arg2: memref<1000x128xf32, #tpu.memory_space<vmem>>, %arg3: memref<1000x16xf32, #tpu.memory_space<vmem>>, %arg4: memref<1000x16xf32, #tpu.memory_space<vmem>>, %arg5: memref<1000x128xf32, #tpu.memory_space<vmem>>, %arg6: memref<128x128xf32, #tpu.memory_space<vmem>>, %arg7: memref<128x128xf32, #tpu.memory_space<vmem>>, %arg8: memref<1x128xf32, #tpu.memory_space<vmem>>, %arg9: memref<1000x128xf32, #tpu.memory_space<vmem>>, %arg10: memref<1000x128xf32, #tpu.memory_space<vmem>>) attributes {dimension_semantics = [#tpu.dimension_semantics<arbitrary>], iteration_bounds = array<i64: 10>, scalar_prefetch = 0 : i64, scratch_operands = 0 : i64, tpu.core_type = #tpu.core_type<tc>, window_params = [{transform_indices = @transform_0, window_bounds = array<i64: 1000, 128>}, {transform_indices = @transform_1, window_bounds = array<i64: 1000, 128>}, {transform_indices = @transform_2, window_bounds = array<i64: 1000, 16>}, {transform_indices = @transform_3, window_bounds = array<i64: 1000, 16>}, {transform_indices = @transform_4, window_bounds = array<i64: 1000, 128>}, {pipeline_mode = #tpu.pipeline_mode<synchronous>, transform_indices = @transform_5, window_bounds = array<i64: 128, 128>}, {pipeline_mode = #tpu.pipeline_mode<synchronous>, transform_indices = @transform_6, window_bounds = array<i64: 128, 128>}, {pipeline_mode = #tpu.pipeline_mode<synchronous>, transform_indices = @transform_7, window_bounds = array<i64: 1, 128>}, {transform_indices = @transform_8, window_bounds = array<i64: 1000, 128>}, {transform_indices = @transform_9, window_bounds = array<i64: 1000, 128>}]} {
    %get3A = arith.constant 0 : index
    %get3A_0 = arith.constant 0 : index
    %get3A_1 = vector.load %arg3[%get3A, %get3A_0] : memref<1000x16xf32, #tpu.memory_space<vmem>>, vector<1000x16xf32>
    %get3A_2 = arith.constant 0 : index
    %get3A_3 = arith.constant 0 : index
    %get3A_4 = vector.load %arg4[%get3A_2, %get3A_3] : memref<1000x16xf32, #tpu.memory_space<vmem>>, vector<1000x16xf32>
    %add3A = arith.addf %get3A_1, %get3A_4 : vector<1000x16xf32>
    %slice3A = vector.extract_strided_slice %add3A {offsets = [0, 0], sizes = [1000, 1], strides = [1, 1]} : vector<1000x16xf32> to vector<1000x1xf32>
    %max3A = arith.constant 1.000000e+00 : f32
    %max3A_5 = vector.broadcast %max3A : f32 to vector<1000x1xf32>
    %max3A_6 = arith.maximumf %slice3A, %max3A_5 : vector<1000x1xf32>
    %div3A = arith.constant 1.000000e+00 : f32
    %div3A_7 = vector.broadcast %div3A : f32 to vector<1000x1xf32>
    %div3A_8 = arith.divf %div3A_7, %max3A_6 : vector<1000x1xf32>
    %get3A_9 = arith.constant 0 : index
    %get3A_10 = arith.constant 0 : index
    %get3A_11 = vector.load %arg1[%get3A_9, %get3A_10] : memref<1000x128xf32, #tpu.memory_space<vmem>>, vector<1000x128xf32>
    %get3A_12 = arith.constant 0 : index
    %get3A_13 = arith.constant 0 : index
    %get3A_14 = vector.load %arg2[%get3A_12, %get3A_13] : memref<1000x128xf32, #tpu.memory_space<vmem>>, vector<1000x128xf32>
    %add3A_15 = arith.addf %get3A_11, %get3A_14 : vector<1000x128xf32>
    %mul3A = vector.broadcast %div3A_8 : vector<1000x1xf32> to vector<1000x128xf32>
    %mul3A_16 = arith.mulf %add3A_15, %mul3A : vector<1000x128xf32>
    %get3A_17 = arith.constant 0 : index
    %get3A_18 = arith.constant 0 : index
    %get3A_19 = vector.load %arg5[%get3A_17, %get3A_18] : memref<1000x128xf32, #tpu.memory_space<vmem>>, vector<1000x128xf32>
    %add3A_20 = arith.addf %mul3A_16, %get3A_19 : vector<1000x128xf32>
    %max3A_21 = arith.constant 0.000000e+00 : f32
    %max3A_22 = vector.broadcast %max3A_21 : f32 to vector<1000x128xf32>
    %max3A_23 = arith.maximumf %add3A_20, %max3A_22 : vector<1000x128xf32>
    %get3A_24 = arith.constant 0 : index
    %get3A_25 = arith.constant 0 : index
    %get3A_26 = vector.load %arg6[%get3A_24, %get3A_25] : memref<128x128xf32, #tpu.memory_space<vmem>>, vector<128x128xf32>
    %dot_general3A = arith.constant dense<0.000000e+00> : vector<1000x128xf32>
    %dot_general3A_27 = tpu.matmul %max3A_23, %get3A_26, %dot_general3A {dimension_numbers = #tpu.dot_dimension_numbers<[1], [0], [0], [1], [0, 0, 1, 1], [], []>, transpose_lhs_hint = false} : vector<1000x128xf32>, vector<128x128xf32>, vector<1000x128xf32> -> vector<1000x128xf32>
    %swap3A = arith.constant 0 : index
    %swap3A_28 = arith.constant 0 : index
    %swap3A_29 = vector.load %arg9[%swap3A, %swap3A_28] : memref<1000x128xf32, #tpu.memory_space<vmem>>, vector<1000x128xf32>
    tpu.vector_store %arg9[%swap3A, %swap3A_28], %dot_general3A_27 {strides = array<i32>} : memref<1000x128xf32, #tpu.memory_space<vmem>>, vector<1000x128xf32>,
    %get3A_30 = arith.constant 0 : index
    %get3A_31 = arith.constant 0 : index
    %get3A_32 = vector.load %arg7[%get3A_30, %get3A_31] : memref<128x128xf32, #tpu.memory_space<vmem>>, vector<128x128xf32>
    %dot_general3A_33 = arith.constant dense<0.000000e+00> : vector<1000x128xf32>
    %dot_general3A_34 = tpu.matmul %max3A_23, %get3A_32, %dot_general3A_33 {dimension_numbers = #tpu.dot_dimension_numbers<[1], [0], [0], [1], [0, 0, 1, 1], [], []>, transpose_lhs_hint = false} : vector<1000x128xf32>, vector<128x128xf32>, vector<1000x128xf32> -> vector<1000x128xf32>
    %get3A_35 = arith.constant 0 : index
    %get3A_36 = arith.constant 0 : index
    %get3A_37 = vector.load %arg8[%get3A_35, %get3A_36] : memref<1x128xf32, #tpu.memory_space<vmem>>, vector<1x128xf32>
    %add3A_38 = vector.broadcast %get3A_37 : vector<1x128xf32> to vector<1000x128xf32>
    %add3A_39 = arith.addf %dot_general3A_34, %add3A_38 : vector<1000x128xf32>
    %swap3A_40 = arith.constant 0 : index
    %swap3A_41 = arith.constant 0 : index
    %swap3A_42 = vector.load %arg10[%swap3A_40, %swap3A_41] : memref<1000x128xf32, #tpu.memory_space<vmem>>, vector<1000x128xf32>
    tpu.vector_store %arg10[%swap3A_40, %swap3A_41], %add3A_39 {strides = array<i32>} : memref<1000x128xf32, #tpu.memory_space<vmem>>, vector<1000x128xf32>,
    return
  }
  func.func @transform_0(%arg0: i32) -> (i32, i32) {
    %c0_i32 = arith.constant 0 : i32
    %c0_i32_0 = arith.constant 0 : i32
    return %arg0, %c0_i32 : i32, i32
  }
  func.func @transform_1(%arg0: i32) -> (i32, i32) {
    %c0_i32 = arith.constant 0 : i32
    %c0_i32_0 = arith.constant 0 : i32
    return %arg0, %c0_i32 : i32, i32
  }
  func.func @transform_2(%arg0: i32) -> (i32, i32) {
    %c0_i32 = arith.constant 0 : i32
    %c0_i32_0 = arith.constant 0 : i32
    return %arg0, %c0_i32 : i32, i32
  }
  func.func @transform_3(%arg0: i32) -> (i32, i32) {
    %c0_i32 = arith.constant 0 : i32
    %c0_i32_0 = arith.constant 0 : i32
    return %arg0, %c0_i32 : i32, i32
  }
  func.func @transform_4(%arg0: i32) -> (i32, i32) {
    %c0_i32 = arith.constant 0 : i32
    %c0_i32_0 = arith.constant 0 : i32
    return %arg0, %c0_i32 : i32, i32
  }
  func.func @transform_5(%arg0: i32) -> (i32, i32) {
    %c0_i32 = arith.constant 0 : i32
    %c0_i32_0 = arith.constant 0 : i32
    %c0_i32_1 = arith.constant 0 : i32
    return %c0_i32, %c0_i32_0 : i32, i32
  }
  func.func @transform_6(%arg0: i32) -> (i32, i32) {
    %c0_i32 = arith.constant 0 : i32
    %c0_i32_0 = arith.constant 0 : i32
    %c0_i32_1 = arith.constant 0 : i32
    return %c0_i32, %c0_i32_0 : i32, i32
  }
  func.func @transform_7(%arg0: i32) -> (i32, i32) {
    %c0_i32 = arith.constant 0 : i32
    %c0_i32_0 = arith.constant 0 : i32
    %c0_i32_1 = arith.constant 0 : i32
    return %c0_i32, %c0_i32_0 : i32, i32
  }
  func.func @transform_8(%arg0: i32) -> (i32, i32) {
    %c0_i32 = arith.constant 0 : i32
    %c0_i32_0 = arith.constant 0 : i32
    return %arg0, %c0_i32 : i32, i32
  }
  func.func @transform_9(%arg0: i32) -> (i32, i32) {
    %c0_i32 = arith.constant 0 : i32
    %c0_i32_0 = arith.constant 0 : i32
    return %arg0, %c0_i32 : i32, i32
  }
}

module attributes {stable_mosaic.version = 14 : i64} {
  func.func @_tc3_body(%arg0: i32, %arg1: memref<1000x128xf32, #tpu.memory_space<vmem>>, %arg2: memref<1000x128xf32, #tpu.memory_space<vmem>>, %arg3: memref<1000x16xf32, #tpu.memory_space<vmem>>, %arg4: memref<1000x16xf32, #tpu.memory_space<vmem>>, %arg5: memref<1000x128xf32, #tpu.memory_space<vmem>>, %arg6: memref<1000x128xf32, #tpu.memory_space<vmem>>) attributes {dimension_semantics = [#tpu.dimension_semantics<arbitrary>], iteration_bounds = array<i64: 10>, scalar_prefetch = 0 : i64, scratch_operands = 0 : i64, tpu.core_type = #tpu.core_type<tc>, window_params = [{transform_indices = @transform_0, window_bounds = array<i64: 1000, 128>}, {transform_indices = @transform_1, window_bounds = array<i64: 1000, 128>}, {transform_indices = @transform_2, window_bounds = array<i64: 1000, 16>}, {transform_indices = @transform_3, window_bounds = array<i64: 1000, 16>}, {transform_indices = @transform_4, window_bounds = array<i64: 1000, 128>}, {transform_indices = @transform_5, window_bounds = array<i64: 1000, 128>}]} {
    %get3A = arith.constant 0 : index
    %get3A_0 = arith.constant 0 : index
    %get3A_1 = vector.load %arg3[%get3A, %get3A_0] : memref<1000x16xf32, #tpu.memory_space<vmem>>, vector<1000x16xf32>
    %get3A_2 = arith.constant 0 : index
    %get3A_3 = arith.constant 0 : index
    %get3A_4 = vector.load %arg4[%get3A_2, %get3A_3] : memref<1000x16xf32, #tpu.memory_space<vmem>>, vector<1000x16xf32>
    %add3A = arith.addf %get3A_1, %get3A_4 : vector<1000x16xf32>
    %slice3A = vector.extract_strided_slice %add3A {offsets = [0, 0], sizes = [1000, 1], strides = [1, 1]} : vector<1000x16xf32> to vector<1000x1xf32>
    %max3A = arith.constant 1.000000e+00 : f32
    %max3A_5 = vector.broadcast %max3A : f32 to vector<1000x1xf32>
    %max3A_6 = arith.maximumf %slice3A, %max3A_5 : vector<1000x1xf32>
    %div3A = arith.constant 1.000000e+00 : f32
    %div3A_7 = vector.broadcast %div3A : f32 to vector<1000x1xf32>
    %div3A_8 = arith.divf %div3A_7, %max3A_6 : vector<1000x1xf32>
    %get3A_9 = arith.constant 0 : index
    %get3A_10 = arith.constant 0 : index
    %get3A_11 = vector.load %arg1[%get3A_9, %get3A_10] : memref<1000x128xf32, #tpu.memory_space<vmem>>, vector<1000x128xf32>
    %get3A_12 = arith.constant 0 : index
    %get3A_13 = arith.constant 0 : index
    %get3A_14 = vector.load %arg2[%get3A_12, %get3A_13] : memref<1000x128xf32, #tpu.memory_space<vmem>>, vector<1000x128xf32>
    %add3A_15 = arith.addf %get3A_11, %get3A_14 : vector<1000x128xf32>
    %mul3A = vector.broadcast %div3A_8 : vector<1000x1xf32> to vector<1000x128xf32>
    %mul3A_16 = arith.mulf %add3A_15, %mul3A : vector<1000x128xf32>
    %get3A_17 = arith.constant 0 : index
    %get3A_18 = arith.constant 0 : index
    %get3A_19 = vector.load %arg5[%get3A_17, %get3A_18] : memref<1000x128xf32, #tpu.memory_space<vmem>>, vector<1000x128xf32>
    %add3A_20 = arith.addf %mul3A_16, %get3A_19 : vector<1000x128xf32>
    %swap3A = arith.constant 0 : index
    %swap3A_21 = arith.constant 0 : index
    %swap3A_22 = vector.load %arg6[%swap3A, %swap3A_21] : memref<1000x128xf32, #tpu.memory_space<vmem>>, vector<1000x128xf32>
    tpu.vector_store %arg6[%swap3A, %swap3A_21], %add3A_20 {strides = array<i32>} : memref<1000x128xf32, #tpu.memory_space<vmem>>, vector<1000x128xf32>,
    return
  }
  func.func @transform_0(%arg0: i32) -> (i32, i32) {
    %c0_i32 = arith.constant 0 : i32
    %c0_i32_0 = arith.constant 0 : i32
    return %arg0, %c0_i32 : i32, i32
  }
  func.func @transform_1(%arg0: i32) -> (i32, i32) {
    %c0_i32 = arith.constant 0 : i32
    %c0_i32_0 = arith.constant 0 : i32
    return %arg0, %c0_i32 : i32, i32
  }
  func.func @transform_2(%arg0: i32) -> (i32, i32) {
    %c0_i32 = arith.constant 0 : i32
    %c0_i32_0 = arith.constant 0 : i32
    return %arg0, %c0_i32 : i32, i32
  }
  func.func @transform_3(%arg0: i32) -> (i32, i32) {
    %c0_i32 = arith.constant 0 : i32
    %c0_i32_0 = arith.constant 0 : i32
    return %arg0, %c0_i32 : i32, i32
  }
  func.func @transform_4(%arg0: i32) -> (i32, i32) {
    %c0_i32 = arith.constant 0 : i32
    %c0_i32_0 = arith.constant 0 : i32
    return %arg0, %c0_i32 : i32, i32
  }
  func.func @transform_5(%arg0: i32) -> (i32, i32) {
    %c0_i32 = arith.constant 0 : i32
    %c0_i32_0 = arith.constant 0 : i32
    return %arg0, %c0_i32 : i32, i32
  }
}

</mosaic_0001>

<sc_bundles>
// kernel: kernel.11.cloned.1.call-start
scs
__scs_entry_jumppad:
0x0: {  	(pc) =	sbr.rel $0x88, $3  }
0x1: {  	(tag) =	ssettag $0x0;
	lr =	simm.s32 $0x1  }
0x2: {  	[smem:$0x3F99] =	sst lr;
	_ =	strace $0xD0000000  }
0x3: {  	_ = 	snop  }
0x4: {  	_ = 	snop  }
0x5: {  	_ = 	snop  }
0x6: {  	_ = 	snop  }
0x7: {  	_ = 	snop  }
__scs_overlays_trampoline_lowered:
0x8: {  	[smem:$0x3FA8] =	sst s0  }
0x9: {  	[smem:$0x3FA9] =	sst s1  }
0xa: {  	[smem:$0x3FAA] =	sst s2  }
0xb: {  	[smem:$0x3FAB] =	sst s3  }
0xc: {  	[smem:$0x3FAC] =	sst s4  }
0xd: {  	[smem:$0x3FAD] =	sst s5  }
0xe: {  	[smem:$0x3FAE] =	sst s6  }
0xf: {  	[smem:$0x3FAF] =	sst s7  }
0x10: {  	[smem:$0x3FB0] =	sst s8  }
0x11: {  	[smem:$0x3FB1] =	sst s9;
	s0 =	simm.s32 @!p0 $0x0  }
0x12: {  	s1 =	sld [smem:$0x3F97];
	s0 =	simm.s32 @p0 $0x1  }
0x13: {  	[smem:$0x3FB2] =	sst s0;
	s0 =	simm.s32 @!p1 $0x0  }
0x14: {  	s2 =	sld [smem:$0x3F96];
	s0 =	simm.s32 @p1 $0x1  }
0x15: {  	[smem:$0x3FB3] =	sst s0;
	s0 =	simm.s32 @!p2 $0x0  }
0x16: {  	s3 =	sld [smem:$0x3FDB];
	s0 =	simm.s32 @p2 $0x1  }
0x17: {  	s4 =	simm.s32 $0x1BF5;
	[smem:$0x3FB5] =	sst s0  }
0x18: {  	s0 =	sld [smem:$0x3F98];
	_ =	swait.ge [sflag:s4], $0x0  }
0x19: {  	s7 =	sld [smem:$0x3F99]  }
0x1a: {  	s8 =	sadd.s32 $0xFFFFE003, lr  }
0x1b: {  	s9 =	sadd.s32 $0xFFFFFEF7, lr;
	s5 =	simm.s32 $0xFFFFFFFF;
	p2 =	slt.u32 s8, $0xFFFFF086  }
0x1c: {  	p1 =	slt.u32 s9, $0xF7A;
	s5 =	simm.s32 @!p2 $0x0  }
0x1d: {  	s5 =	simm.s32 @p1 $0x1;
	p0 =	seq.s32 s7, s2  }
0x1e: {  	s7 =	smul.u32 @!p0 $0xF7A, s2;
	p2 =	seq.s32 @!p0 s5, $0x0  }
0x1f: {  	s9 =	smul.u32 $0xF7A, s1;
	s8 =	simm.s32 @!p0 $0x1BF5;
	p2 =	por !p2, p0  }
0x20: {  	[sflag:s8] =	ssyncset.s32 @!p0 $0xFFFFF086;
	s6 =	sadd.s32 @!p0 s3, s7;
	s7 =	simm.s32 @!p0 $0x108  }
0x21: {  	s3 =	sadd.s32 s3, s9;
	s6 =	sadd.s32 @!p0 $0x88, s6;
	s7 =	simm.s32 @p2 $0x1082  }
0x22: {  	[simem:s7], [sflag:s8] =	dma.local @!p0 [hbm:s6], $0xF7A  }
0x23: {  	s9 =	sor.u32 $0xD0000000, s2;
	s6 =	simm.s32 $0x108;
	_ =	swait.ge @!p0 [sflag:s8], $0x0  }
0x24: {  	s3 =	sadd.s32 $0x88, s3;
	s6 =	simm.s32 @!p1 $0x1082;
	[sflag:s4] =	ssyncset.s32 $0xFFFFF086  }
0x25: {  	[simem:s6], [sflag:s4] =	dma.local [hbm:s3], $0xF7A  }
0x26: {  	[smem:$0x3F99] =	sst s1;
	(tag) =	ssettag s2;
	_ =	strace s9  }
0x27: {  	s1 =	sld [smem:$0x3FA9]  }
0x28: {  	s2 =	sld [smem:$0x3FAA]  }
0x29: {  	s4 =	sld [smem:$0x3FAC]  }
0x2a: {  	p0 =	seq.s32 s5, $0x0;
	s5 =	sld [smem:$0x3FAD]  }
0x2b: {  	s6 =	sld [smem:$0x3FAE]  }
0x2c: {  	s7 =	sld [smem:$0x3FAF]  }
0x2d: {  	s3 =	simm.s32 $0x108;
	s8 =	sld [smem:$0x3FB0]  }
0x2e: {  	s3 =	simm.s32 @!p0 $0x1082;
	s9 =	sld [smem:$0x3FB1]  }
0x2f: {  	lr =	sadd.s32 s0, s3;
	s0 =	sld [smem:$0x3FA8]  }
0x30: {  	s3 =	sld [smem:$0x3FAB]  }
0x31: {  	[smem:$0x3FB4] =	sst s10  }
0x32: {  	s10 =	sld [smem:$0x3FB2];
	_ =	sdelay $0x3  }
0x33: {  	p0 =	seq.s32 s10, $0x1;
	s10 =	sld [smem:$0x3FB4];
	_ =	sdelay $0x3  }
0x34: {  	[smem:$0x3FB4] =	sst s10  }
0x35: {  	s10 =	sld [smem:$0x3FB3];
	_ =	sdelay $0x3  }
0x36: {  	p1 =	seq.s32 s10, $0x1;
	s10 =	sld [smem:$0x3FB4];
	_ =	sdelay $0x3  }
0x37: {  	[smem:$0x3FB4] =	sst s10  }
0x38: {  	s10 =	sld [smem:$0x3FB5]  }
0x39: {  	_ = 	snop;
	(pc) =	sbr.ind lr, $3  }
0x3a: {  	_ = 	snop  }
0x3b: {  	_ = 	snop  }
0x3c: {  	p2 =	seq.s32 s10, $0x1;
	s10 =	sld [smem:$0x3FB4]  }
0x3d: {  	_ =	shalt  }
0x3e: {  	_ =	shalt  }
0x3f: {  	_ =	shalt  }
0x40: {  	_ =	shalt  }
0x41: {  	_ =	shalt  }
0x42: {  	_ =	shalt  }
0x43: {  	_ =	shalt  }
0x44: {  	_ =	shalt  }
0x45: {  	_ =	shalt  }
0x46: {  	_ =	shalt  }
0x47: {  	_ =	shalt  }
0x48: {  	_ =	shalt  }
0x49: {  	_ =	shalt  }
0x4a: {  	_ =	shalt  }
0x4b: {  	_ =	shalt  }
0x4c: {  	_ =	shalt  }
0x4d: {  	_ =	shalt  }
0x4e: {  	_ =	shalt  }
0x4f: {  	_ =	shalt  }
0x50: {  	_ =	shalt  }
0x51: {  	_ =	shalt  }
0x52: {  	_ =	shalt  }
0x53: {  	_ =	shalt  }
0x54: {  	_ =	shalt  }
0x55: {  	_ =	shalt  }
0x56: {  	_ =	shalt  }
0x57: {  	_ =	shalt  }
0x58: {  	_ =	shalt  }
0x59: {  	_ =	shalt  }
0x5a: {  	_ =	shalt  }
0x5b: {  	_ =	shalt  }
0x5c: {  	_ =	shalt  }
0x5d: {  	_ =	shalt  }
0x5e: {  	_ =	shalt  }
0x5f: {  	_ =	shalt  }
0x60: {  	_ =	shalt  }
0x61: {  	_ =	shalt  }
0x62: {  	_ =	shalt  }
0x63: {  	_ =	shalt  }
0x64: {  	_ =	shalt  }
0x65: {  	_ =	shalt  }
0x66: {  	_ =	shalt  }
0x67: {  	_ =	shalt  }
0x68: {  	_ =	shalt  }
0x69: {  	_ =	shalt  }
0x6a: {  	_ =	shalt  }
0x6b: {  	_ =	shalt  }
0x6c: {  	_ =	shalt  }
0x6d: {  	_ =	shalt  }
0x6e: {  	_ =	shalt  }
0x6f: {  	_ =	shalt  }
0x70: {  	_ =	shalt  }
0x71: {  	_ =	shalt  }
0x72: {  	_ =	shalt  }
0x73: {  	_ =	shalt  }
0x74: {  	_ =	shalt  }
0x75: {  	_ =	shalt  }
0x76: {  	_ =	shalt  }
0x77: {  	_ =	shalt  }
0x78: {  	_ =	shalt  }
0x79: {  	_ =	shalt  }
0x7a: {  	_ =	shalt  }
0x7b: {  	_ =	shalt  }
0x7c: {  	_ =	shalt  }
0x7d: {  	_ =	shalt  }
0x7e: {  	_ =	shalt  }
0x7f: {  	_ =	shalt  }
0x80: {  	_ =	shalt  }
0x81: {  	_ =	shalt  }
0x82: {  	_ =	shalt  }
0x83: {  	_ =	shalt  }
0x84: {  	_ =	shalt  }
0x85: {  	_ =	shalt  }
0x86: {  	_ =	shalt  }
0x87: {  	_ =	shalt  }
.Lfunc_end0:
.L_simem_size_0:
called_computation.1_lowered:
.L_overlay_start_0:
0x88: {  	s2 =	sld [smem:$0x3FD9]  }
0x89: {  	s3 =	sld [smem:$0x3FFE];
	_ =	sdelay $0x1  }
0x8a: {  	s1 =	srdreg.scid  }
0x8b: {  	s0 =	sand.u32 $0x1, s1  }
0x8c: {  	s17 =	sshll.u32 s0, $0xA;
	s2 =	sadd.s32 s3, s2  }
0x8d: {  	s2 =	sadd.s32 s2, s17  }
0x8e: {  	[smem:$0x3FC0] =	sst s2  }
0x8f: {  	_ = 	snop  }
0x90: {  	s18 =	sld [smem:$0x3FD0];
	(tm) =	ssettm $0x1  }
0x91: {  	s19 =	sld [smem:$0x3FFB];
	_ =	sdelay $0x3  }
0x92: {  	_ =	strace s19  }
0x93: {  	s2 =	sld [smem:$0x3FFC];
	_ =	sdelay $0x3  }
0x94: {  	_ =	strace s2  }
0x95: {  	s2 =	sld [smem:$0x3FFD];
	_ =	sdelay $0x3  }
0x96: {  	_ =	strace s2  }
0x97: {  	_ =	strace $0x8FFFFFFF  }
0x98: {  	s20 =	sld [smem:$0x3FDB];
	_ =	sdelay $0x1  }
0x99: {  	s4 =	simm.s32 $_scs_section_size  }
0x9a: {  	s5 =	simm.s32 $_size__tile_overlayer_lowered;
	s6 =	simm.s32 $_tile_overlayer_lowered  }
0x9b: {  	s7 =	simm.s32 $0x1BFF;
	s21 =	sshll.u32 s6, $0x1;
	s4 =	sadd.s32 s4, s20  }
0x9c: {  	s22 =	simm.s32 $0x0;
	s5 =	sshll.u32 s5, $0x1;
	s6 =	sadd.s32 s21, s4  }
0x9d: {  	[timem:s22], [sflag:s7] =	dma.local [hbm:s6], s5  }
0x9e: {  	_ =	swait.ge [sflag:s7], s5  }
0x9f: {  	s5 =	ssub.s32 $0x0, s5;
	[sflag:s7] =	ssyncset.done $0x0  }
0xa0: {  	[sflag:s7] =	ssyncadd.s32 s5;
	_ =	sdelay $0x1  }
0xa1: {  	s23 =	simm.s32 $0x1B8B  }
0xa2: {  	_ =	swait.ge [sflag:s23], $0x1  }
0xa3: {  	[sflag:s23] =	ssyncset.done $0x0  }
0xa4: {  	[sflag:s23] =	ssyncadd.s32 $0xFFFFFFFF  }
0xa5: {  	s5 =	sld [smem:$0x0]  }
0xa6: {  	s6 =	sand.u32 $0xFFFFFFFE, s1  }
0xa7: {  	p0 =	sne.s32 s1, s6  }
0xa8: {  	s6 =	sshll.u32 @p0 s6, $0xE  }
0xa9: {  	s6 =	sadd.s32 @p0 $0x11B8D, s6;
	s7 =	sshll.u32 @p0 s5, $0x11  }
0xaa: {  	s6 =	sor.u32 @p0 s7, s6  }
0xab: {  	[sflag:s6] =	ssyncadd.remote.s32 @p0 $0x1;
	_ =	sdelay $0x1  }
0xac: {  	s6 =	simm.s32 @p0 $0x1B8D  }
0xad: {  	_ =	swait.eq @p0 [sflag:s6], $0x1  }
0xae: {  	[sflag:s6] =	ssyncadd.s32 @p0 $0xFFFFFFFF  }
0xaf: {  	s7 =	sshll.u32 @!p0 s1, $0xE  }
0xb0: {  	s7 =	sor.u32 @!p0 $0x4000, s7;
	s6 =	simm.s32 @!p0 $0x1B8D  }
0xb1: {  	s5 =	sshll.u32 @!p0 s5, $0x11;
	s7 =	sadd.s32 @!p0 $0x11B8D, s7;
	_ =	swait.eq @!p0 [sflag:s6], $0x1  }
0xb2: {  	s5 =	sor.u32 @!p0 s5, s7;
	[sflag:s6] =	ssyncadd.s32 @!p0 $0xFFFFFFFF  }
0xb3: {  	s25 =	simm.s32 $0x1B8E;
	s24 =	sld [smem:$0x3FFE];
	[sflag:s5] =	ssyncadd.remote.s32 @!p0 $0x1  }
0xb4: {  	s26 =	simm.s32 $execute0_lowered;
	[smem:$0x3FD2] =	sst s25  }
0xb5: {  	s6 =	sshll.u32 s26, $0x1;
	_ =	strace $0x80000049;
	[dreg:$0x1] =	wrdreg $0xFFFFFFFF  }
0xb6: {  	s28 =	simm.s32 $_size_execute0_lowered;
	s4 =	sadd.s32 s4, s6;
	[dreg:$0x0] =	wrdreg $0x0  }
0xb7: {  	s6 =	sshll.u32 s28, $0x1;
	[dreg:$0x2] =	wrdreg s4  }
0xb8: {  	[dreg:$0x3] =	wrdreg s6  }
0xb9: {  	[dreg:$0x4] =	wrdreg $0xC0  }
0xba: {  	_ =	task [dreg:s22], $0x5FFFF  }
0xbb: {  	[dreg:$0x1] =	wrdreg $0xFFFFFFFF  }
0xbc: {  	[dreg:$0x0] =	wrdreg $0x60  }
0xbd: {  	[dreg:$0x2] =	wrdreg s18  }
0xbe: {  	[dreg:$0x3] =	wrdreg s24  }
0xbf: {  	[dreg:$0x4] =	wrdreg $0x9E200  }
0xc0: {  	[dreg:$0x5] =	wrdreg $0xA  }
0xc1: {  	_ =	task.clear_ibuf [dreg:s22], $0x6FFFF;
	_ =	strace $0x90000049  }
0xc2: {  	s29 =	simm.s32 $0xA;
	_ =	strace $0x8000004B  }
0xc3: {  	_ =	swait.ge [sflag:s29], $0x1  }
0xc4: {  	[sflag:s29] =	ssyncadd.s32 $0xFFFFFFFF  }
0xc5: {  	_ =	strace $0x9000004B  }
0xc6: {  	_ =	sfence  }
0xc7: {  	s30 =	sld [smem:$0x0];
	_ =	sdelay $0x2  }
0xc8: {  	s31 =	sshll.u32 s1, $0xD;
	s1 =	sshrl.u32 s1, $0x2  }
0xc9: {  	s4 =	sand.u32 $0x4000, s31;
	s1 =	sadd.s32 s1, s30  }
0xca: {  	s0 =	sor.u32 s4, s0;
	s1 =	sshll.u32 s1, $0x11  }
0xcb: {  	s0 =	sor.u32 s1, s0  }
0xcc: {  	s0 =	sadd.s32 $0x8F2B, s0  }
0xcd: {  	[sflag:s0] =	ssyncadd.remote.s32 $0x1  }
0xce: {  	_ =	sfence.sel $0xFFFF  }
0xcf: {  	[dreg:$0x0] =	wrdreg $0xFFFFFFFF;
	(pc) =	sbr.abs _section_cstart, $3  }
0xd0: {  	[dreg:$0x1] =	wrdreg $0xFFFFFFFF  }
0xd1: {  	_ =	task.clear_ibuf [dreg:s22], $0x2FFFF;
	_ =	strace $0x9FFFFFFF  }
0xd2: {  	(tm) =	ssettm $0x7FFFFFFF  }
0xd3: {  	_ =	shalt  }
tec
execute0_lowered:
.L_overlay_start_1:
0x0: {  	(tag) =	ssettag $0x1  }
0x1: {  	s1 =	rddreg [dreg:$0x0]  }
0x2: {  	s2 =	srdreg.scid;
	s6 =	rddreg [dreg:$0x1]  }
0x3: {  	s0 =	stileid.u32;
	s3 =	rddreg [dreg:$0x2];
	s4 =	simm.s32 $0x0  }
0x4: {  	s12 =	simm.s32 $0x3;
	s13 =	simm.s32 $0x2710;
	s14 =	simm.s32 $0x50  }
0x5: {  	s15 =	simm.s32 $0x4E20;
	s16 =	simm.s32 $0x7620;
	s17 =	simm.s32 $0x1  }
0x6: {  	s18 =	simm.s32 $0x2;
	s19 =	simm.s32 $0x4DD0;
	s20 =	simm.s32 $0x0  }
0x7: {  	s5 =	sand.u32 $0x1, s2;
	s2 =	rddreg [dreg:$0x3];
	s9 =	smul.u32 $0x3E80, s0  }
0x8: {  	s29 =	sshll.u32 s0, $0x1;
	[smem:$0x7FF] =	sst s4;
	s11 =	smul.u32 $0x7D000, s0  }
0x9: {  	p0 =	sgt.u32 s0, $0x9;
	s7 =	sor.u32 s5, s29;
	s8 =	smul.u32 $0x27100, s5  }
0xa: {  	_ =	strace $0x8000004A;
	s10 =	ssub.s32 $0x2, s5;
	s5 =	sadd.s32 $0x48E00, s6  }
0xb: {  	s7 =	smul.u32 $0x4E2, s7;
	s30 =	sshrl.u32 s10, $0x1;
	s31 =	sshrl.u32 s11, $0x2  }
0xc: {  	s8 =	sadd.s32 s9, s8;
	s9 =	ssub.s32 s10, s30;
	s11 =	sadd.s32 s31, s3  }
0xd: {  	s10 =	sshll.u32 @!p0 s0, $0x6;
	s7 =	sadd.s32 s7, s6;
	s8 =	sadd.s32 s8, s6  }
0xe: {  	s9 =	smax.u32 s9, $0x1;
	s10 =	sor.u32 @!p0 $0x1C03, s10;
	s11 =	sshrl.u32 @!p0 s11, $0x3  }
0xf: {  	s6 =	sadd.s32 $0xD800, s7;
	s7 =	sadd.s32 $0x3A00, s7;
	s8 =	sadd.s32 $0x4CE00, s8  }
.LBB2_1:
0x10: {  	[spmem:s11], [sflag:s10] =	dma.local @!p0 [hbm:s5], $0x3E80  }
0x11: {  	s21 =	simm.s32 @!p0 $0x3  }
0x12: {  	_ =	swait.ge @!p0 [sflag:s21], $0x3E80  }
0x13: {  	[sflag:s21] =	ssyncset.done @!p0 $0x0  }
0x14: {  	[sflag:s21] =	ssyncadd.s32 @!p0 $0xFFFFC180  }
0x15: {  	[tilespmem:s4], [sflag:$0x3] =	stream.linear.gather [hbm4b:s6+s4], $0x2710, $0x38;
	[tilespmem:$0x1D6A0] =	vst v63  }
0x16: {  	_ =	swait.ge [sflag:s12], $0x2710  }
0x17: {  	[sflag:s12] =	ssyncset.done $0x0  }
0x18: {  	[sflag:s12] =	ssyncadd.s32 $0xFFFFD8F0  }
0x19: {  	[tilespmem:s13], [sflag:$0x3] =	stream.linear.gather [hbm4b:s7+s4], $0x2710, $0x38;
	[tilespmem:$0x1D6A0] =	vst v63  }
0x1a: {  	_ =	swait.ge [sflag:s12], $0x2710  }
0x1b: {  	[sflag:s12] =	ssyncset.done $0x0  }
0x1c: {  	[sflag:s12] =	ssyncadd.s32 $0xFFFFD8F0  }
0x1d: {  	[bflag:$0x0] =	sbarrier.arrive $0xFFFF  }
0x1e: {  	[tilespmem:s15], [sflag:$0x1] =	stream.indirect.gather [hbm4b:s1+s14], $0x80, s4, s14, $0xb8;
	[tilespmem:$0x1D6A0] =	vst v63  }
0x1f: {  	s28 =	simm.s32 $0x50  }
0x20: {  	[tilespmem:s16], [sflag:$0x2] =	stream.indirect.gather [hbm4b:s1+s14], $0x80, s28, s14, $0xb8;
	[tilespmem:$0x1D6A0] =	vst v63  }
0x21: {  	_ =	swait.ge [sflag:s17], $0x2800  }
0x22: {  	[sflag:s17] =	ssyncset.done $0x0  }
0x23: {  	s29 =	simm.s32 $0x2710;
	[sflag:s17] =	ssyncadd.s32 $0xFFFFD800  }
0x24: {  	[spmem:s3] =	stream.indirect.scatter.add.f32 [tilespmem:s15], [sflag:$0x3], $0x80, s29, s14, $0xb8;
	[tilespmem:$0x1D6A0] =	vst v63  }
0x25: {  	_ =	swait.ge [sflag:s12], $0x2800  }
0x26: {  	[sflag:s12] =	ssyncset.done $0x0  }
0x27: {  	s30 =	simm.s32 $0xA0;
	[sflag:s12] =	ssyncadd.s32 $0xFFFFD800  }
0x28: {  	[tilespmem:s15], [sflag:$0x1] =	stream.indirect.gather [hbm4b:s1+s14], $0x80, s30, s14, $0xb8;
	[tilespmem:$0x1D6A0] =	vst v63  }
0x29: {  	_ =	swait.ge [sflag:s18], $0x2800  }
0x2a: {  	[sflag:s18] =	ssyncset.done $0x0  }
0x2b: {  	s31 =	simm.s32 $0x2760;
	[sflag:s18] =	ssyncadd.s32 $0xFFFFD800  }
0x2c: {  	[spmem:s3] =	stream.indirect.scatter.add.f32 [tilespmem:s16], [sflag:$0x3], $0x80, s31, s14, $0xb8;
	[tilespmem:$0x1D6A0] =	vst v63  }
0x2d: {  	_ =	swait.ge [sflag:s12], $0x2800  }
0x2e: {  	s22 =	simm.s32 $0x500;
	s21 =	simm.s32 $0xA0;
	[sflag:s12] =	ssyncset.done $0x0  }
.LBB2_2:
0x2f: {  	s23 =	sadd.s32 $0x50, s21  }
0x30: {  	[sflag:s12] =	ssyncadd.s32 $0xFFFFD800;
	s24 =	smov.u32 s22;
	s25 =	sadd.s32 $0x280, s22  }
0x31: {  	[tilespmem:s16], [sflag:$0x2] =	stream.indirect.gather [hbm4b:s1+s14], $0x80, s23, s14, $0xb8;
	[tilespmem:$0x1D6A0] =	vst v63  }
0x32: {  	p1 =	sne.s32 s22, $0x9880;
	_ =	swait.ge [sflag:s17], $0x2800  }
0x33: {  	[sflag:s17] =	ssyncset.done $0x0  }
0x34: {  	s22 =	sadd.s32 $0x2710, s21;
	[sflag:s17] =	ssyncadd.s32 $0xFFFFD800  }
0x35: {  	[spmem:s3] =	stream.indirect.scatter.add.f32 [tilespmem:s15], [sflag:$0x3], $0x80, s22, s14, $0xb8;
	[tilespmem:$0x1D6A0] =	vst v63  }
0x36: {  	_ =	swait.ge [sflag:s12], $0x2800  }
0x37: {  	[sflag:s12] =	ssyncset.done $0x0  }
0x38: {  	s22 =	sadd.s32 $0xA0, s21;
	[sflag:s12] =	ssyncadd.s32 $0xFFFFD800  }
0x39: {  	[tilespmem:s15], [sflag:$0x1] =	stream.indirect.gather [hbm4b:s1+s14], $0x80, s22, s14, $0xb8;
	[tilespmem:$0x1D6A0] =	vst v63  }
0x3a: {  	_ =	swait.ge [sflag:s18], $0x2800  }
.Ltmp0:
0x3b: {  	[sflag:s18] =	ssyncset.done $0x0;
	(pc) =	sbr.rel @p1 .LBB2_2-.Ltmp0, $4  }
0x3c: {  	s21 =	sadd.s32 $0x2760, s21;
	[sflag:s18] =	ssyncadd.s32 $0xFFFFD800  }
0x3d: {  	[spmem:s3] =	stream.indirect.scatter.add.f32 [tilespmem:s16], [sflag:$0x3], $0x80, s21, s14, $0xb8;
	[tilespmem:$0x1D6A0] =	vst v63  }
0x3e: {  	_ =	swait.ge [sflag:s12], $0x2800  }
0x3f: {  	s22 =	smov.u32 s25;
	s21 =	sshra.s32 s24, $0x2;
	[sflag:s12] =	ssyncset.done $0x0  }
0x40: {  	s22 =	sadd.s32 $0x50, s21;
	[sflag:s12] =	ssyncadd.s32 $0xFFFFD800  }
0x41: {  	[tilespmem:s16], [sflag:$0x2] =	stream.indirect.gather [hbm4b:s1+s14], $0x80, s22, s14, $0xb8;
	[tilespmem:$0x1D6A0] =	vst v63  }
0x42: {  	_ =	swait.ge [sflag:s17], $0x2800  }
0x43: {  	[sflag:s17] =	ssyncset.done $0x0  }
0x44: {  	s29 =	sadd.s32 $0x2710, s21;
	[sflag:s17] =	ssyncadd.s32 $0xFFFFD800  }
0x45: {  	[spmem:s3] =	stream.indirect.scatter.add.f32 [tilespmem:s15], [sflag:$0x3], $0x80, s29, s14, $0xb8;
	[tilespmem:$0x1D6A0] =	vst v63  }
0x46: {  	_ =	swait.ge [sflag:s12], $0x2800  }
0x47: {  	[sflag:s12] =	ssyncset.done $0x0  }
0x48: {  	s30 =	sadd.s32 $0xA0, s21;
	[sflag:s12] =	ssyncadd.s32 $0xFFFFD800  }
0x49: {  	[tilespmem:s15], [sflag:$0x1] =	stream.indirect.gather [hbm4b:s1+s14], $0x80, s30, s14, $0xb8;
	[tilespmem:$0x1D6A0] =	vst v63  }
0x4a: {  	_ =	swait.ge [sflag:s18], $0x2800  }
0x4b: {  	[sflag:s18] =	ssyncset.done $0x0  }
0x4c: {  	s31 =	sadd.s32 $0x2760, s21;
	[sflag:s18] =	ssyncadd.s32 $0xFFFFD800  }
0x4d: {  	[spmem:s3] =	stream.indirect.scatter.add.f32 [tilespmem:s16], [sflag:$0x3], $0x80, s31, s14, $0xb8;
	[tilespmem:$0x1D6A0] =	vst v63  }
0x4e: {  	_ =	swait.ge [sflag:s12], $0x2800  }
0x4f: {  	[sflag:s12] =	ssyncset.done $0x0  }
0x50: {  	[sflag:s12] =	ssyncadd.s32 $0xFFFFD800  }
0x51: {  	_ =	swait.ge [sflag:s17], $0x2800  }
0x52: {  	[sflag:s17] =	ssyncset.done $0x0  }
0x53: {  	[sflag:s17] =	ssyncadd.s32 $0xFFFFD800  }
0x54: {  	[spmem:s3] =	stream.indirect.scatter.add.f32 [tilespmem:s15], [sflag:$0x3], $0x80, s19, s14, $0xb8;
	[tilespmem:$0x1D6A0] =	vst v63  }
0x55: {  	_ =	swait.ge [sflag:s12], $0x2800  }
0x56: {  	s20 =	sadd.s32 $0x1, s20;
	[sflag:s12] =	ssyncset.done $0x0  }
0x57: {  	p1 =	sne.s32 s20, s9;
	[sflag:s12] =	ssyncadd.s32 $0xFFFFD800  }
.Ltmp1:
0x58: {  	s21 =	simm.s32 @!p0 $0x3;
	[bflag:$0x0] =	sbarrier.arrive $0xFFFF;
	(pc) =	sbr.rel @p1 .LBB2_1-.Ltmp1, $4  }
0x59: {  	[hbm:s8], [sflag:s10] =	dma.local @!p0 [spmem:s11], $0x3E80  }
0x5a: {  	_ =	swait.ge @!p0 [sflag:s21], $0x3E80  }
0x5b: {  	[sflag:s21] =	ssyncset.done @!p0 $0x0  }
0x5c: {  	[sflag:s21] =	ssyncadd.s32 @!p0 $0xFFFFC180  }
0x5d: {  	_ =	sfence.sel $0x180000  }
0x5e: {  	[bflag:$0x0] =	sbarrier.arrive $0xFFFF  }
0x5f: {  	p0 =	sne.s32 s0, $0x0;
	_ =	strace $0x9000004A  }
0x60: {  	s0 =	sadd.s32 @!p0 $0x100000, s2;
	[bflag:$0x2] =	sbarrier.arrive $0xFFFF  }
0x61: {  	[sflag:s0] =	ssyncadd.tile.s32 @!p0 $0x1;
	_ =	shalt  }
.Lfunc_end2:
_tile_overlayer_lowered:
.L_overlay_start_2:
0x62: {  	(tag) =	ssettag $0x2  }
0x63: {  	s0 =	rddreg [dreg:$0x0];
	s2 =	stileid.u32  }
0x64: {  	s1 =	rddreg [dreg:$0x1];
	p0 =	sne.s32 s2, $0x0  }
0x65: {  	s3 =	rddreg [dreg:$0x2];
	[bflag:$0x3] =	sbarrier.arrive $0xFFFF;
	s2 =	simm.s32 @!p0 $0x1C03  }
0x66: {  	[timem:s3], [sflag:s2] =	dma.local @!p0 [hbm:s0], s1  }
0x67: {  	s0 =	simm.s32 @!p0 $0x3  }
0x68: {  	_ =	swait.ge @!p0 [sflag:s0], s1  }
0x69: {  	s1 =	ssub.s32 @!p0 $0x0, s1;
	[sflag:s0] =	ssyncset.done @!p0 $0x0  }
0x6a: {  	[sflag:s0] =	ssyncadd.s32 @!p0 s1  }
0x6b: {  	[bflag:$0x3] =	sbarrier.arrive $0xFFFF  }
0x6c: {  	_ =	shalt  }

// kernel: kernel.14.cloned.1.call-start
scs
__scs_entry_jumppad:
0x0: {  	(pc) =	sbr.rel $0x88, $3  }
0x1: {  	(tag) =	ssettag $0x0;
	lr =	simm.s32 $0x1  }
0x2: {  	[smem:$0x3F99] =	sst lr;
	_ =	strace $0xD0000000  }
0x3: {  	_ = 	snop  }
0x4: {  	_ = 	snop  }
0x5: {  	_ = 	snop  }
0x6: {  	_ = 	snop  }
0x7: {  	_ = 	snop  }
__scs_overlays_trampoline_lowered:
0x8: {  	[smem:$0x3FA8] =	sst s0  }
0x9: {  	[smem:$0x3FA9] =	sst s1  }
0xa: {  	[smem:$0x3FAA] =	sst s2  }
0xb: {  	[smem:$0x3FAB] =	sst s3  }
0xc: {  	[smem:$0x3FAC] =	sst s4  }
0xd: {  	[smem:$0x3FAD] =	sst s5  }
0xe: {  	[smem:$0x3FAE] =	sst s6  }
0xf: {  	[smem:$0x3FAF] =	sst s7  }
0x10: {  	[smem:$0x3FB0] =	sst s8  }
0x11: {  	[smem:$0x3FB1] =	sst s9;
	s0 =	simm.s32 @!p0 $0x0  }
0x12: {  	s1 =	sld [smem:$0x3F97];
	s0 =	simm.s32 @p0 $0x1  }
0x13: {  	[smem:$0x3FB2] =	sst s0;
	s0 =	simm.s32 @!p1 $0x0  }
0x14: {  	s2 =	sld [smem:$0x3F96];
	s0 =	simm.s32 @p1 $0x1  }
0x15: {  	[smem:$0x3FB3] =	sst s0;
	s0 =	simm.s32 @!p2 $0x0  }
0x16: {  	s3 =	sld [smem:$0x3FDB];
	s0 =	simm.s32 @p2 $0x1  }
0x17: {  	s4 =	simm.s32 $0x1BF5;
	[smem:$0x3FB5] =	sst s0  }
0x18: {  	s0 =	sld [smem:$0x3F98];
	_ =	swait.ge [sflag:s4], $0x0  }
0x19: {  	s7 =	sld [smem:$0x3F99]  }
0x1a: {  	s8 =	sadd.s32 $0xFFFFE003, lr  }
0x1b: {  	s9 =	sadd.s32 $0xFFFFFEF7, lr;
	s5 =	simm.s32 $0xFFFFFFFF;
	p2 =	slt.u32 s8, $0xFFFFF086  }
0x1c: {  	p1 =	slt.u32 s9, $0xF7A;
	s5 =	simm.s32 @!p2 $0x0  }
0x1d: {  	s5 =	simm.s32 @p1 $0x1;
	p0 =	seq.s32 s7, s2  }
0x1e: {  	s7 =	smul.u32 @!p0 $0xF7A, s2;
	p2 =	seq.s32 @!p0 s5, $0x0  }
0x1f: {  	s9 =	smul.u32 $0xF7A, s1;
	s8 =	simm.s32 @!p0 $0x1BF5;
	p2 =	por !p2, p0  }
0x20: {  	[sflag:s8] =	ssyncset.s32 @!p0 $0xFFFFF086;
	s6 =	sadd.s32 @!p0 s3, s7;
	s7 =	simm.s32 @!p0 $0x108  }
0x21: {  	s3 =	sadd.s32 s3, s9;
	s6 =	sadd.s32 @!p0 $0x88, s6;
	s7 =	simm.s32 @p2 $0x1082  }
0x22: {  	[simem:s7], [sflag:s8] =	dma.local @!p0 [hbm:s6], $0xF7A  }
0x23: {  	s9 =	sor.u32 $0xD0000000, s2;
	s6 =	simm.s32 $0x108;
	_ =	swait.ge @!p0 [sflag:s8], $0x0  }
0x24: {  	s3 =	sadd.s32 $0x88, s3;
	s6 =	simm.s32 @!p1 $0x1082;
	[sflag:s4] =	ssyncset.s32 $0xFFFFF086  }
0x25: {  	[simem:s6], [sflag:s4] =	dma.local [hbm:s3], $0xF7A  }
0x26: {  	[smem:$0x3F99] =	sst s1;
	(tag) =	ssettag s2;
	_ =	strace s9  }
0x27: {  	s1 =	sld [smem:$0x3FA9]  }
0x28: {  	s2 =	sld [smem:$0x3FAA]  }
0x29: {  	s4 =	sld [smem:$0x3FAC]  }
0x2a: {  	p0 =	seq.s32 s5, $0x0;
	s5 =	sld [smem:$0x3FAD]  }
0x2b: {  	s6 =	sld [smem:$0x3FAE]  }
0x2c: {  	s7 =	sld [smem:$0x3FAF]  }
0x2d: {  	s3 =	simm.s32 $0x108;
	s8 =	sld [smem:$0x3FB0]  }
0x2e: {  	s3 =	simm.s32 @!p0 $0x1082;
	s9 =	sld [smem:$0x3FB1]  }
0x2f: {  	lr =	sadd.s32 s0, s3;
	s0 =	sld [smem:$0x3FA8]  }
0x30: {  	s3 =	sld [smem:$0x3FAB]  }
0x31: {  	[smem:$0x3FB4] =	sst s10  }
0x32: {  	s10 =	sld [smem:$0x3FB2];
	_ =	sdelay $0x3  }
0x33: {  	p0 =	seq.s32 s10, $0x1;
	s10 =	sld [smem:$0x3FB4];
	_ =	sdelay $0x3  }
0x34: {  	[smem:$0x3FB4] =	sst s10  }
0x35: {  	s10 =	sld [smem:$0x3FB3];
	_ =	sdelay $0x3  }
0x36: {  	p1 =	seq.s32 s10, $0x1;
	s10 =	sld [smem:$0x3FB4];
	_ =	sdelay $0x3  }
0x37: {  	[smem:$0x3FB4] =	sst s10  }
0x38: {  	s10 =	sld [smem:$0x3FB5]  }
0x39: {  	_ = 	snop;
	(pc) =	sbr.ind lr, $3  }
0x3a: {  	_ = 	snop  }
0x3b: {  	_ = 	snop  }
0x3c: {  	p2 =	seq.s32 s10, $0x1;
	s10 =	sld [smem:$0x3FB4]  }
0x3d: {  	_ =	shalt  }
0x3e: {  	_ =	shalt  }
0x3f: {  	_ =	shalt  }
0x40: {  	_ =	shalt  }
0x41: {  	_ =	shalt  }
0x42: {  	_ =	shalt  }
0x43: {  	_ =	shalt  }
0x44: {  	_ =	shalt  }
0x45: {  	_ =	shalt  }
0x46: {  	_ =	shalt  }
0x47: {  	_ =	shalt  }
0x48: {  	_ =	shalt  }
0x49: {  	_ =	shalt  }
0x4a: {  	_ =	shalt  }
0x4b: {  	_ =	shalt  }
0x4c: {  	_ =	shalt  }
0x4d: {  	_ =	shalt  }
0x4e: {  	_ =	shalt  }
0x4f: {  	_ =	shalt  }
0x50: {  	_ =	shalt  }
0x51: {  	_ =	shalt  }
0x52: {  	_ =	shalt  }
0x53: {  	_ =	shalt  }
0x54: {  	_ =	shalt  }
0x55: {  	_ =	shalt  }
0x56: {  	_ =	shalt  }
0x57: {  	_ =	shalt  }
0x58: {  	_ =	shalt  }
0x59: {  	_ =	shalt  }
0x5a: {  	_ =	shalt  }
0x5b: {  	_ =	shalt  }
0x5c: {  	_ =	shalt  }
0x5d: {  	_ =	shalt  }
0x5e: {  	_ =	shalt  }
0x5f: {  	_ =	shalt  }
0x60: {  	_ =	shalt  }
0x61: {  	_ =	shalt  }
0x62: {  	_ =	shalt  }
0x63: {  	_ =	shalt  }
0x64: {  	_ =	shalt  }
0x65: {  	_ =	shalt  }
0x66: {  	_ =	shalt  }
0x67: {  	_ =	shalt  }
0x68: {  	_ =	shalt  }
0x69: {  	_ =	shalt  }
0x6a: {  	_ =	shalt  }
0x6b: {  	_ =	shalt  }
0x6c: {  	_ =	shalt  }
0x6d: {  	_ =	shalt  }
0x6e: {  	_ =	shalt  }
0x6f: {  	_ =	shalt  }
0x70: {  	_ =	shalt  }
0x71: {  	_ =	shalt  }
0x72: {  	_ =	shalt  }
0x73: {  	_ =	shalt  }
0x74: {  	_ =	shalt  }
0x75: {  	_ =	shalt  }
0x76: {  	_ =	shalt  }
0x77: {  	_ =	shalt  }
0x78: {  	_ =	shalt  }
0x79: {  	_ =	shalt  }
0x7a: {  	_ =	shalt  }
0x7b: {  	_ =	shalt  }
0x7c: {  	_ =	shalt  }
0x7d: {  	_ =	shalt  }
0x7e: {  	_ =	shalt  }
0x7f: {  	_ =	shalt  }
0x80: {  	_ =	shalt  }
0x81: {  	_ =	shalt  }
0x82: {  	_ =	shalt  }
0x83: {  	_ =	shalt  }
0x84: {  	_ =	shalt  }
0x85: {  	_ =	shalt  }
0x86: {  	_ =	shalt  }
0x87: {  	_ =	shalt  }
.Lfunc_end0:
.L_simem_size_0:
called_computation.2_lowered:
.L_overlay_start_0:
0x88: {  	s2 =	sld [smem:$0x3FD9]  }
0x89: {  	s3 =	sld [smem:$0x3FFE];
	_ =	sdelay $0x1  }
0x8a: {  	s1 =	srdreg.scid  }
0x8b: {  	s0 =	sand.u32 $0x1, s1  }
0x8c: {  	s17 =	sshll.u32 s0, $0xA;
	s2 =	sadd.s32 s3, s2  }
0x8d: {  	s2 =	sadd.s32 s2, s17  }
0x8e: {  	[smem:$0x3FC0] =	sst s2  }
0x8f: {  	_ = 	snop  }
0x90: {  	s2 =	sld [smem:$0x3FD0];
	(tm) =	ssettm $0x1  }
0x91: {  	s18 =	sld [smem:$0x3FFB];
	_ =	sdelay $0x3  }
0x92: {  	_ =	strace s18  }
0x93: {  	s3 =	sld [smem:$0x3FFC];
	_ =	sdelay $0x3  }
0x94: {  	_ =	strace s3  }
0x95: {  	s3 =	sld [smem:$0x3FFD];
	_ =	sdelay $0x3  }
0x96: {  	_ =	strace s3  }
0x97: {  	_ =	strace $0x8FFFFFFF  }
0x98: {  	s19 =	sld [smem:$0x3FDB];
	_ =	sdelay $0x1  }
0x99: {  	s4 =	simm.s32 $_scs_section_size  }
0x9a: {  	s5 =	simm.s32 $_size__tile_overlayer_lowered;
	s6 =	simm.s32 $_tile_overlayer_lowered  }
0x9b: {  	s22 =	simm.s32 $0x1BFF;
	s21 =	sshll.u32 s6, $0x1;
	s3 =	sadd.s32 s4, s19  }
0x9c: {  	s7 =	simm.s32 $0x0;
	s20 =	sshll.u32 s5, $0x1;
	s5 =	sadd.s32 s21, s3  }
0x9d: {  	[timem:s7], [sflag:s22] =	dma.local [hbm:s5], s20  }
0x9e: {  	_ =	swait.ge [sflag:s22], s20  }
0x9f: {  	s4 =	ssub.s32 $0x0, s20;
	[sflag:s22] =	ssyncset.done $0x0  }
0xa0: {  	[sflag:s22] =	ssyncadd.s32 s4;
	_ =	sdelay $0x1  }
0xa1: {  	s23 =	simm.s32 $0x1B8B  }
0xa2: {  	_ =	swait.ge [sflag:s23], $0x1  }
0xa3: {  	[sflag:s23] =	ssyncset.done $0x0  }
0xa4: {  	s25 =	simm.s32 $0x1B8E;
	s24 =	sld [smem:$0x3FFE];
	[sflag:s23] =	ssyncadd.s32 $0xFFFFFFFF  }
0xa5: {  	s26 =	simm.s32 $execute0_lowered;
	[smem:$0x3FD2] =	sst s25  }
0xa6: {  	s5 =	sshll.u32 s26, $0x1;
	_ =	strace $0x8000004C;
	[dreg:$0x1] =	wrdreg $0xFFFFFFFF  }
0xa7: {  	s28 =	simm.s32 $_size_execute0_lowered;
	s3 =	sadd.s32 s3, s5;
	[dreg:$0x0] =	wrdreg $0x0  }
0xa8: {  	s5 =	sshll.u32 s28, $0x1;
	[dreg:$0x2] =	wrdreg s3  }
0xa9: {  	[dreg:$0x3] =	wrdreg s5  }
0xaa: {  	[dreg:$0x4] =	wrdreg $0xC0  }
0xab: {  	_ =	task [dreg:s7], $0x5FFFF  }
0xac: {  	[dreg:$0x1] =	wrdreg $0xFFFFFFFF  }
0xad: {  	[dreg:$0x0] =	wrdreg $0x60  }
0xae: {  	[dreg:$0x2] =	wrdreg s2  }
0xaf: {  	[dreg:$0x3] =	wrdreg s24  }
0xb0: {  	[dreg:$0x4] =	wrdreg $0x9E200  }
0xb1: {  	[dreg:$0x5] =	wrdreg $0x9  }
0xb2: {  	_ =	task.clear_ibuf [dreg:s7], $0x6FFFF;
	_ =	strace $0x9000004C  }
0xb3: {  	s29 =	simm.s32 $0x9;
	_ =	strace $0x8000004E  }
0xb4: {  	_ =	swait.ge [sflag:s29], $0x1  }
0xb5: {  	[sflag:s29] =	ssyncadd.s32 $0xFFFFFFFF  }
0xb6: {  	_ =	strace $0x9000004E  }
0xb7: {  	_ =	sfence  }
0xb8: {  	s30 =	sld [smem:$0x0];
	_ =	sdelay $0x2  }
0xb9: {  	s31 =	sshll.u32 s1, $0xD;
	s1 =	sshrl.u32 s1, $0x2  }
0xba: {  	s3 =	sand.u32 $0x4000, s31;
	s1 =	sadd.s32 s1, s30  }
0xbb: {  	s0 =	sor.u32 s3, s0;
	s1 =	sshll.u32 s1, $0x11  }
0xbc: {  	s0 =	sor.u32 s1, s0  }
0xbd: {  	s0 =	sadd.s32 $0x8F2B, s0  }
0xbe: {  	[sflag:s0] =	ssyncadd.remote.s32 $0x1  }
0xbf: {  	_ =	sfence.sel $0xFFFF  }
0xc0: {  	[dreg:$0x0] =	wrdreg $0xFFFFFFFF;
	(pc) =	sbr.abs _section_cstart, $3  }
0xc1: {  	[dreg:$0x1] =	wrdreg $0xFFFFFFFF  }
0xc2: {  	_ =	task.clear_ibuf [dreg:s7], $0x2FFFF;
	_ =	strace $0x9FFFFFFF  }
0xc3: {  	(tm) =	ssettm $0x7FFFFFFF  }
tec
execute0_lowered:
.L_overlay_start_1:
0x0: {  	(tag) =	ssettag $0x1  }
0x1: {  	s1 =	rddreg [dreg:$0x0]  }
0x2: {  	s2 =	srdreg.scid;
	s6 =	rddreg [dreg:$0x1]  }
0x3: {  	s0 =	stileid.u32;
	s3 =	rddreg [dreg:$0x2];
	s4 =	simm.s32 $0x0  }
0x4: {  	s12 =	simm.s32 $0x3;
	s13 =	simm.s32 $0x2710;
	s14 =	simm.s32 $0x50  }
0x5: {  	s15 =	simm.s32 $0x4E20;
	s16 =	simm.s32 $0x7620;
	s17 =	simm.s32 $0x1  }
0x6: {  	s18 =	simm.s32 $0x2;
	s19 =	simm.s32 $0x4DD0;
	s20 =	simm.s32 $0x0  }
0x7: {  	s5 =	sand.u32 $0x1, s2;
	s2 =	rddreg [dreg:$0x3];
	s9 =	smul.u32 $0x3E80, s0  }
0x8: {  	s29 =	sshll.u32 s0, $0x1;
	[smem:$0x7FF] =	sst s4;
	s11 =	smul.u32 $0x7D000, s0  }
0x9: {  	p0 =	sgt.u32 s0, $0x9;
	s7 =	sor.u32 s5, s29;
	s8 =	smul.u32 $0x27100, s5  }
0xa: {  	_ =	strace $0x8000004D;
	s10 =	ssub.s32 $0x2, s5;
	s5 =	sadd.s32 $0x48E00, s6  }
0xb: {  	s7 =	smul.u32 $0x4E2, s7;
	s30 =	sshrl.u32 s10, $0x1;
	s31 =	sshrl.u32 s11, $0x2  }
0xc: {  	s8 =	sadd.s32 s9, s8;
	s9 =	ssub.s32 s10, s30;
	s11 =	sadd.s32 s31, s3  }
0xd: {  	s10 =	sshll.u32 @!p0 s0, $0x6;
	s7 =	sadd.s32 s7, s6;
	s8 =	sadd.s32 s8, s6  }
0xe: {  	s9 =	smax.u32 s9, $0x1;
	s10 =	sor.u32 @!p0 $0x1C03, s10;
	s11 =	sshrl.u32 @!p0 s11, $0x3  }
0xf: {  	s6 =	sadd.s32 $0xD800, s7;
	s7 =	sadd.s32 $0x3A00, s7;
	s8 =	sadd.s32 $0x4CE00, s8  }
.LBB2_1:
0x10: {  	[spmem:s11], [sflag:s10] =	dma.local @!p0 [hbm:s5], $0x3E80  }
0x11: {  	s21 =	simm.s32 @!p0 $0x3  }
0x12: {  	_ =	swait.ge @!p0 [sflag:s21], $0x3E80  }
0x13: {  	[sflag:s21] =	ssyncset.done @!p0 $0x0  }
0x14: {  	[sflag:s21] =	ssyncadd.s32 @!p0 $0xFFFFC180  }
0x15: {  	[tilespmem:s4], [sflag:$0x3] =	stream.linear.gather [hbm4b:s6+s4], $0x2710, $0x38;
	[tilespmem:$0x1D6A0] =	vst v63  }
0x16: {  	_ =	swait.ge [sflag:s12], $0x2710  }
0x17: {  	[sflag:s12] =	ssyncset.done $0x0  }
0x18: {  	[sflag:s12] =	ssyncadd.s32 $0xFFFFD8F0  }
0x19: {  	[tilespmem:s13], [sflag:$0x3] =	stream.linear.gather [hbm4b:s7+s4], $0x2710, $0x38;
	[tilespmem:$0x1D6A0] =	vst v63  }
0x1a: {  	_ =	swait.ge [sflag:s12], $0x2710  }
0x1b: {  	[sflag:s12] =	ssyncset.done $0x0  }
0x1c: {  	[sflag:s12] =	ssyncadd.s32 $0xFFFFD8F0  }
0x1d: {  	[bflag:$0x0] =	sbarrier.arrive $0xFFFF  }
0x1e: {  	[tilespmem:s15], [sflag:$0x1] =	stream.indirect.gather [hbm4b:s1+s14], $0x80, s4, s14, $0xb8;
	[tilespmem:$0x1D6A0] =	vst v63  }
0x1f: {  	s28 =	simm.s32 $0x50  }
0x20: {  	[tilespmem:s16], [sflag:$0x2] =	stream.indirect.gather [hbm4b:s1+s14], $0x80, s28, s14, $0xb8;
	[tilespmem:$0x1D6A0] =	vst v63  }
0x21: {  	_ =	swait.ge [sflag:s17], $0x2800  }
0x22: {  	[sflag:s17] =	ssyncset.done $0x0  }
0x23: {  	s29 =	simm.s32 $0x2710;
	[sflag:s17] =	ssyncadd.s32 $0xFFFFD800  }
0x24: {  	[spmem:s3] =	stream.indirect.scatter.add.f32 [tilespmem:s15], [sflag:$0x3], $0x80, s29, s14, $0xb8;
	[tilespmem:$0x1D6A0] =	vst v63  }
0x25: {  	_ =	swait.ge [sflag:s12], $0x2800  }
0x26: {  	[sflag:s12] =	ssyncset.done $0x0  }
0x27: {  	s30 =	simm.s32 $0xA0;
	[sflag:s12] =	ssyncadd.s32 $0xFFFFD800  }
0x28: {  	[tilespmem:s15], [sflag:$0x1] =	stream.indirect.gather [hbm4b:s1+s14], $0x80, s30, s14, $0xb8;
	[tilespmem:$0x1D6A0] =	vst v63  }
0x29: {  	_ =	swait.ge [sflag:s18], $0x2800  }
0x2a: {  	[sflag:s18] =	ssyncset.done $0x0  }
0x2b: {  	s31 =	simm.s32 $0x2760;
	[sflag:s18] =	ssyncadd.s32 $0xFFFFD800  }
0x2c: {  	[spmem:s3] =	stream.indirect.scatter.add.f32 [tilespmem:s16], [sflag:$0x3], $0x80, s31, s14, $0xb8;
	[tilespmem:$0x1D6A0] =	vst v63  }
0x2d: {  	_ =	swait.ge [sflag:s12], $0x2800  }
0x2e: {  	s22 =	simm.s32 $0x500;
	s21 =	simm.s32 $0xA0;
	[sflag:s12] =	ssyncset.done $0x0  }
.LBB2_2:
0x2f: {  	s23 =	sadd.s32 $0x50, s21  }
0x30: {  	[sflag:s12] =	ssyncadd.s32 $0xFFFFD800;
	s24 =	smov.u32 s22;
	s25 =	sadd.s32 $0x280, s22  }
0x31: {  	[tilespmem:s16], [sflag:$0x2] =	stream.indirect.gather [hbm4b:s1+s14], $0x80, s23, s14, $0xb8;
	[tilespmem:$0x1D6A0] =	vst v63  }
0x32: {  	p1 =	sne.s32 s22, $0x9880;
	_ =	swait.ge [sflag:s17], $0x2800  }
0x33: {  	[sflag:s17] =	ssyncset.done $0x0  }
0x34: {  	s22 =	sadd.s32 $0x2710, s21;
	[sflag:s17] =	ssyncadd.s32 $0xFFFFD800  }
0x35: {  	[spmem:s3] =	stream.indirect.scatter.add.f32 [tilespmem:s15], [sflag:$0x3], $0x80, s22, s14, $0xb8;
	[tilespmem:$0x1D6A0] =	vst v63  }
0x36: {  	_ =	swait.ge [sflag:s12], $0x2800  }
0x37: {  	[sflag:s12] =	ssyncset.done $0x0  }
0x38: {  	s22 =	sadd.s32 $0xA0, s21;
	[sflag:s12] =	ssyncadd.s32 $0xFFFFD800  }
0x39: {  	[tilespmem:s15], [sflag:$0x1] =	stream.indirect.gather [hbm4b:s1+s14], $0x80, s22, s14, $0xb8;
	[tilespmem:$0x1D6A0] =	vst v63  }
0x3a: {  	_ =	swait.ge [sflag:s18], $0x2800  }
.Ltmp0:
0x3b: {  	[sflag:s18] =	ssyncset.done $0x0;
	(pc) =	sbr.rel @p1 .LBB2_2-.Ltmp0, $4  }
0x3c: {  	s21 =	sadd.s32 $0x2760, s21;
	[sflag:s18] =	ssyncadd.s32 $0xFFFFD800  }
0x3d: {  	[spmem:s3] =	stream.indirect.scatter.add.f32 [tilespmem:s16], [sflag:$0x3], $0x80, s21, s14, $0xb8;
	[tilespmem:$0x1D6A0] =	vst v63  }
0x3e: {  	_ =	swait.ge [sflag:s12], $0x2800  }
0x3f: {  	s22 =	smov.u32 s25;
	s21 =	sshra.s32 s24, $0x2;
	[sflag:s12] =	ssyncset.done $0x0  }
0x40: {  	s22 =	sadd.s32 $0x50, s21;
	[sflag:s12] =	ssyncadd.s32 $0xFFFFD800  }
0x41: {  	[tilespmem:s16], [sflag:$0x2] =	stream.indirect.gather [hbm4b:s1+s14], $0x80, s22, s14, $0xb8;
	[tilespmem:$0x1D6A0] =	vst v63  }
0x42: {  	_ =	swait.ge [sflag:s17], $0x2800  }
0x43: {  	[sflag:s17] =	ssyncset.done $0x0  }
0x44: {  	s29 =	sadd.s32 $0x2710, s21;
	[sflag:s17] =	ssyncadd.s32 $0xFFFFD800  }
0x45: {  	[spmem:s3] =	stream.indirect.scatter.add.f32 [tilespmem:s15], [sflag:$0x3], $0x80, s29, s14, $0xb8;
	[tilespmem:$0x1D6A0] =	vst v63  }
0x46: {  	_ =	swait.ge [sflag:s12], $0x2800  }
0x47: {  	[sflag:s12] =	ssyncset.done $0x0  }
0x48: {  	s30 =	sadd.s32 $0xA0, s21;
	[sflag:s12] =	ssyncadd.s32 $0xFFFFD800  }
0x49: {  	[tilespmem:s15], [sflag:$0x1] =	stream.indirect.gather [hbm4b:s1+s14], $0x80, s30, s14, $0xb8;
	[tilespmem:$0x1D6A0] =	vst v63  }
0x4a: {  	_ =	swait.ge [sflag:s18], $0x2800  }
0x4b: {  	[sflag:s18] =	ssyncset.done $0x0  }
0x4c: {  	s31 =	sadd.s32 $0x2760, s21;
	[sflag:s18] =	ssyncadd.s32 $0xFFFFD800  }
0x4d: {  	[spmem:s3] =	stream.indirect.scatter.add.f32 [tilespmem:s16], [sflag:$0x3], $0x80, s31, s14, $0xb8;
	[tilespmem:$0x1D6A0] =	vst v63  }
0x4e: {  	_ =	swait.ge [sflag:s12], $0x2800  }
0x4f: {  	[sflag:s12] =	ssyncset.done $0x0  }
0x50: {  	[sflag:s12] =	ssyncadd.s32 $0xFFFFD800  }
0x51: {  	_ =	swait.ge [sflag:s17], $0x2800  }
0x52: {  	[sflag:s17] =	ssyncset.done $0x0  }
0x53: {  	[sflag:s17] =	ssyncadd.s32 $0xFFFFD800  }
0x54: {  	[spmem:s3] =	stream.indirect.scatter.add.f32 [tilespmem:s15], [sflag:$0x3], $0x80, s19, s14, $0xb8;
	[tilespmem:$0x1D6A0] =	vst v63  }
0x55: {  	_ =	swait.ge [sflag:s12], $0x2800  }
0x56: {  	s20 =	sadd.s32 $0x1, s20;
	[sflag:s12] =	ssyncset.done $0x0  }
0x57: {  	p1 =	sne.s32 s20, s9;
	[sflag:s12] =	ssyncadd.s32 $0xFFFFD800  }
.Ltmp1:
0x58: {  	s21 =	simm.s32 @!p0 $0x3;
	[bflag:$0x0] =	sbarrier.arrive $0xFFFF;
	(pc) =	sbr.rel @p1 .LBB2_1-.Ltmp1, $4  }
0x59: {  	[hbm:s8], [sflag:s10] =	dma.local @!p0 [spmem:s11], $0x3E80  }
0x5a: {  	_ =	swait.ge @!p0 [sflag:s21], $0x3E80  }
0x5b: {  	[sflag:s21] =	ssyncset.done @!p0 $0x0  }
0x5c: {  	[sflag:s21] =	ssyncadd.s32 @!p0 $0xFFFFC180  }
0x5d: {  	_ =	sfence.sel $0x180000  }
0x5e: {  	[bflag:$0x0] =	sbarrier.arrive $0xFFFF  }
0x5f: {  	p0 =	sne.s32 s0, $0x0;
	_ =	strace $0x9000004D  }
0x60: {  	s0 =	sadd.s32 @!p0 $0x100000, s2;
	[bflag:$0x2] =	sbarrier.arrive $0xFFFF  }
0x61: {  	[sflag:s0] =	ssyncadd.tile.s32 @!p0 $0x1;
	_ =	shalt  }
.Lfunc_end2:
_tile_overlayer_lowered:
.L_overlay_start_2:
0x62: {  	(tag) =	ssettag $0x2  }
0x63: {  	s0 =	rddreg [dreg:$0x0];
	s2 =	stileid.u32  }
0x64: {  	s1 =	rddreg [dreg:$0x1];
	p0 =	sne.s32 s2, $0x0  }
0x65: {  	s3 =	rddreg [dreg:$0x2];
	[bflag:$0x3] =	sbarrier.arrive $0xFFFF;
	s2 =	simm.s32 @!p0 $0x1C03  }
0x66: {  	[timem:s3], [sflag:s2] =	dma.local @!p0 [hbm:s0], s1  }
0x67: {  	s0 =	simm.s32 @!p0 $0x3  }
0x68: {  	_ =	swait.ge @!p0 [sflag:s0], s1  }
0x69: {  	s1 =	ssub.s32 @!p0 $0x0, s1;
	[sflag:s0] =	ssyncset.done @!p0 $0x0  }
0x6a: {  	[sflag:s0] =	ssyncadd.s32 @!p0 s1  }
0x6b: {  	[bflag:$0x3] =	sbarrier.arrive $0xFFFF  }
0x6c: {  	_ =	shalt  }

// kernel: kernel.8.cloned.1.call-start
scs
__scs_entry_jumppad:
0x0: {  	(pc) =	sbr.rel $0x88, $3  }
0x1: {  	(tag) =	ssettag $0x0;
	lr =	simm.s32 $0x1  }
0x2: {  	[smem:$0x3F99] =	sst lr;
	_ =	strace $0xD0000000  }
0x3: {  	_ = 	snop  }
0x4: {  	_ = 	snop  }
0x5: {  	_ = 	snop  }
0x6: {  	_ = 	snop  }
0x7: {  	_ = 	snop  }
__scs_overlays_trampoline_lowered:
0x8: {  	[smem:$0x3FA8] =	sst s0  }
0x9: {  	[smem:$0x3FA9] =	sst s1  }
0xa: {  	[smem:$0x3FAA] =	sst s2  }
0xb: {  	[smem:$0x3FAB] =	sst s3  }
0xc: {  	[smem:$0x3FAC] =	sst s4  }
0xd: {  	[smem:$0x3FAD] =	sst s5  }
0xe: {  	[smem:$0x3FAE] =	sst s6  }
0xf: {  	[smem:$0x3FAF] =	sst s7  }
0x10: {  	[smem:$0x3FB0] =	sst s8  }
0x11: {  	[smem:$0x3FB1] =	sst s9;
	s0 =	simm.s32 @!p0 $0x0  }
0x12: {  	s1 =	sld [smem:$0x3F97];
	s0 =	simm.s32 @p0 $0x1  }
0x13: {  	[smem:$0x3FB2] =	sst s0;
	s0 =	simm.s32 @!p1 $0x0  }
0x14: {  	s2 =	sld [smem:$0x3F96];
	s0 =	simm.s32 @p1 $0x1  }
0x15: {  	[smem:$0x3FB3] =	sst s0;
	s0 =	simm.s32 @!p2 $0x0  }
0x16: {  	s3 =	sld [smem:$0x3FDB];
	s0 =	simm.s32 @p2 $0x1  }
0x17: {  	s4 =	simm.s32 $0x1BF5;
	[smem:$0x3FB5] =	sst s0  }
0x18: {  	s0 =	sld [smem:$0x3F98];
	_ =	swait.ge [sflag:s4], $0x0  }
0x19: {  	s7 =	sld [smem:$0x3F99]  }
0x1a: {  	s8 =	sadd.s32 $0xFFFFE003, lr  }
0x1b: {  	s9 =	sadd.s32 $0xFFFFFEF7, lr;
	s5 =	simm.s32 $0xFFFFFFFF;
	p2 =	slt.u32 s8, $0xFFFFF086  }
0x1c: {  	p1 =	slt.u32 s9, $0xF7A;
	s5 =	simm.s32 @!p2 $0x0  }
0x1d: {  	s5 =	simm.s32 @p1 $0x1;
	p0 =	seq.s32 s7, s2  }
0x1e: {  	s7 =	smul.u32 @!p0 $0xF7A, s2;
	p2 =	seq.s32 @!p0 s5, $0x0  }
0x1f: {  	s9 =	smul.u32 $0xF7A, s1;
	s8 =	simm.s32 @!p0 $0x1BF5;
	p2 =	por !p2, p0  }
0x20: {  	[sflag:s8] =	ssyncset.s32 @!p0 $0xFFFFF086;
	s6 =	sadd.s32 @!p0 s3, s7;
	s7 =	simm.s32 @!p0 $0x108  }
0x21: {  	s3 =	sadd.s32 s3, s9;
	s6 =	sadd.s32 @!p0 $0x88, s6;
	s7 =	simm.s32 @p2 $0x1082  }
0x22: {  	[simem:s7], [sflag:s8] =	dma.local @!p0 [hbm:s6], $0xF7A  }
0x23: {  	s9 =	sor.u32 $0xD0000000, s2;
	s6 =	simm.s32 $0x108;
	_ =	swait.ge @!p0 [sflag:s8], $0x0  }
0x24: {  	s3 =	sadd.s32 $0x88, s3;
	s6 =	simm.s32 @!p1 $0x1082;
	[sflag:s4] =	ssyncset.s32 $0xFFFFF086  }
0x25: {  	[simem:s6], [sflag:s4] =	dma.local [hbm:s3], $0xF7A  }
0x26: {  	[smem:$0x3F99] =	sst s1;
	(tag) =	ssettag s2;
	_ =	strace s9  }
0x27: {  	s1 =	sld [smem:$0x3FA9]  }
0x28: {  	s2 =	sld [smem:$0x3FAA]  }
0x29: {  	s4 =	sld [smem:$0x3FAC]  }
0x2a: {  	p0 =	seq.s32 s5, $0x0;
	s5 =	sld [smem:$0x3FAD]  }
0x2b: {  	s6 =	sld [smem:$0x3FAE]  }
0x2c: {  	s7 =	sld [smem:$0x3FAF]  }
0x2d: {  	s3 =	simm.s32 $0x108;
	s8 =	sld [smem:$0x3FB0]  }
0x2e: {  	s3 =	simm.s32 @!p0 $0x1082;
	s9 =	sld [smem:$0x3FB1]  }
0x2f: {  	lr =	sadd.s32 s0, s3;
	s0 =	sld [smem:$0x3FA8]  }
0x30: {  	s3 =	sld [smem:$0x3FAB]  }
0x31: {  	[smem:$0x3FB4] =	sst s10  }
0x32: {  	s10 =	sld [smem:$0x3FB2];
	_ =	sdelay $0x3  }
0x33: {  	p0 =	seq.s32 s10, $0x1;
	s10 =	sld [smem:$0x3FB4];
	_ =	sdelay $0x3  }
0x34: {  	[smem:$0x3FB4] =	sst s10  }
0x35: {  	s10 =	sld [smem:$0x3FB3];
	_ =	sdelay $0x3  }
0x36: {  	p1 =	seq.s32 s10, $0x1;
	s10 =	sld [smem:$0x3FB4];
	_ =	sdelay $0x3  }
0x37: {  	[smem:$0x3FB4] =	sst s10  }
0x38: {  	s10 =	sld [smem:$0x3FB5]  }
0x39: {  	_ = 	snop;
	(pc) =	sbr.ind lr, $3  }
0x3a: {  	_ = 	snop  }
0x3b: {  	_ = 	snop  }
0x3c: {  	p2 =	seq.s32 s10, $0x1;
	s10 =	sld [smem:$0x3FB4]  }
0x3d: {  	_ =	shalt  }
0x3e: {  	_ =	shalt  }
0x3f: {  	_ =	shalt  }
0x40: {  	_ =	shalt  }
0x41: {  	_ =	shalt  }
0x42: {  	_ =	shalt  }
0x43: {  	_ =	shalt  }
0x44: {  	_ =	shalt  }
0x45: {  	_ =	shalt  }
0x46: {  	_ =	shalt  }
0x47: {  	_ =	shalt  }
0x48: {  	_ =	shalt  }
0x49: {  	_ =	shalt  }
0x4a: {  	_ =	shalt  }
0x4b: {  	_ =	shalt  }
0x4c: {  	_ =	shalt  }
0x4d: {  	_ =	shalt  }
0x4e: {  	_ =	shalt  }
0x4f: {  	_ =	shalt  }
0x50: {  	_ =	shalt  }
0x51: {  	_ =	shalt  }
0x52: {  	_ =	shalt  }
0x53: {  	_ =	shalt  }
0x54: {  	_ =	shalt  }
0x55: {  	_ =	shalt  }
0x56: {  	_ =	shalt  }
0x57: {  	_ =	shalt  }
0x58: {  	_ =	shalt  }
0x59: {  	_ =	shalt  }
0x5a: {  	_ =	shalt  }
0x5b: {  	_ =	shalt  }
0x5c: {  	_ =	shalt  }
0x5d: {  	_ =	shalt  }
0x5e: {  	_ =	shalt  }
0x5f: {  	_ =	shalt  }
0x60: {  	_ =	shalt  }
0x61: {  	_ =	shalt  }
0x62: {  	_ =	shalt  }
0x63: {  	_ =	shalt  }
0x64: {  	_ =	shalt  }
0x65: {  	_ =	shalt  }
0x66: {  	_ =	shalt  }
0x67: {  	_ =	shalt  }
0x68: {  	_ =	shalt  }
0x69: {  	_ =	shalt  }
0x6a: {  	_ =	shalt  }
0x6b: {  	_ =	shalt  }
0x6c: {  	_ =	shalt  }
0x6d: {  	_ =	shalt  }
0x6e: {  	_ =	shalt  }
0x6f: {  	_ =	shalt  }
0x70: {  	_ =	shalt  }
0x71: {  	_ =	shalt  }
0x72: {  	_ =	shalt  }
0x73: {  	_ =	shalt  }
0x74: {  	_ =	shalt  }
0x75: {  	_ =	shalt  }
0x76: {  	_ =	shalt  }
0x77: {  	_ =	shalt  }
0x78: {  	_ =	shalt  }
0x79: {  	_ =	shalt  }
0x7a: {  	_ =	shalt  }
0x7b: {  	_ =	shalt  }
0x7c: {  	_ =	shalt  }
0x7d: {  	_ =	shalt  }
0x7e: {  	_ =	shalt  }
0x7f: {  	_ =	shalt  }
0x80: {  	_ =	shalt  }
0x81: {  	_ =	shalt  }
0x82: {  	_ =	shalt  }
0x83: {  	_ =	shalt  }
0x84: {  	_ =	shalt  }
0x85: {  	_ =	shalt  }
0x86: {  	_ =	shalt  }
0x87: {  	_ =	shalt  }
.Lfunc_end0:
.L_simem_size_0:
called_computation_lowered:
.L_overlay_start_0:
0x88: {  	s2 =	sld [smem:$0x3FD9]  }
0x89: {  	s3 =	sld [smem:$0x3FFE];
	_ =	sdelay $0x1  }
0x8a: {  	s1 =	srdreg.scid  }
0x8b: {  	s0 =	sand.u32 $0x1, s1  }
0x8c: {  	s16 =	sshll.u32 s0, $0xA;
	s2 =	sadd.s32 s3, s2  }
0x8d: {  	s2 =	sadd.s32 s2, s16  }
0x8e: {  	[smem:$0x3FC0] =	sst s2  }
0x8f: {  	_ = 	snop  }
0x90: {  	(tm) =	ssettm $0x1  }
0x91: {  	s17 =	sld [smem:$0x3FFB];
	_ =	sdelay $0x3  }
0x92: {  	_ =	strace s17  }
0x93: {  	s2 =	sld [smem:$0x3FFC];
	_ =	sdelay $0x3  }
0x94: {  	_ =	strace s2  }
0x95: {  	s2 =	sld [smem:$0x3FFD];
	_ =	sdelay $0x3  }
0x96: {  	_ =	strace s2  }
0x97: {  	_ =	strace $0x8FFFFFFF  }
0x98: {  	s18 =	sld [smem:$0x3FDB];
	_ =	sdelay $0x1  }
0x99: {  	s19 =	simm.s32 $_scs_section_size  }
0x9a: {  	s4 =	simm.s32 $_size__tile_overlayer_lowered;
	s5 =	simm.s32 $_tile_overlayer_lowered  }
0x9b: {  	s22 =	simm.s32 $0x1BFF;
	s21 =	sshll.u32 s5, $0x1;
	s2 =	sadd.s32 s19, s18  }
0x9c: {  	s6 =	simm.s32 $0x0;
	s20 =	sshll.u32 s4, $0x1;
	s4 =	sadd.s32 s21, s2  }
0x9d: {  	[timem:s6], [sflag:s22] =	dma.local [hbm:s4], s20  }
0x9e: {  	_ =	swait.ge [sflag:s22], s20  }
0x9f: {  	s3 =	ssub.s32 $0x0, s20;
	[sflag:s22] =	ssyncset.done $0x0  }
0xa0: {  	[sflag:s22] =	ssyncadd.s32 s3;
	_ =	sdelay $0x1  }
0xa1: {  	s23 =	simm.s32 $0x1B8B  }
0xa2: {  	_ =	swait.ge [sflag:s23], $0x1  }
0xa3: {  	[sflag:s23] =	ssyncset.done $0x0  }
0xa4: {  	s25 =	simm.s32 $0x1B8E;
	s24 =	sld [smem:$0x3FFE];
	[sflag:s23] =	ssyncadd.s32 $0xFFFFFFFF  }
0xa5: {  	s26 =	simm.s32 $execute0_lowered;
	[smem:$0x3FD2] =	sst s25  }
0xa6: {  	s4 =	sshll.u32 s26, $0x1;
	_ =	strace $0x80000046;
	[dreg:$0x1] =	wrdreg $0xFFFFFFFF  }
0xa7: {  	s28 =	simm.s32 $_size_execute0_lowered;
	s2 =	sadd.s32 s2, s4;
	[dreg:$0x0] =	wrdreg $0x0  }
0xa8: {  	s4 =	sshll.u32 s28, $0x1;
	[dreg:$0x2] =	wrdreg s2  }
0xa9: {  	[dreg:$0x3] =	wrdreg s4  }
0xaa: {  	[dreg:$0x4] =	wrdreg $0xC0  }
0xab: {  	_ =	task [dreg:s6], $0x5FFFF  }
0xac: {  	[dreg:$0x1] =	wrdreg $0xFFFFFFFF  }
0xad: {  	[dreg:$0x0] =	wrdreg $0x60  }
0xae: {  	[dreg:$0x2] =	wrdreg s24  }
0xaf: {  	[dreg:$0x3] =	wrdreg $0x2C100  }
0xb0: {  	[dreg:$0x4] =	wrdreg $0x9  }
0xb1: {  	_ =	task.clear_ibuf [dreg:s6], $0x5FFFF;
	_ =	strace $0x90000046  }
0xb2: {  	s29 =	simm.s32 $0x9;
	_ =	strace $0x80000048  }
0xb3: {  	_ =	swait.ge [sflag:s29], $0x1  }
0xb4: {  	[sflag:s29] =	ssyncadd.s32 $0xFFFFFFFF  }
0xb5: {  	_ =	strace $0x90000048  }
0xb6: {  	_ =	sfence  }
0xb7: {  	s30 =	sld [smem:$0x0];
	_ =	sdelay $0x2  }
0xb8: {  	s31 =	sshll.u32 s1, $0xD;
	s1 =	sshrl.u32 s1, $0x2  }
0xb9: {  	s3 =	sand.u32 $0x4000, s31;
	s1 =	sadd.s32 s1, s30  }
0xba: {  	s0 =	sor.u32 s3, s0;
	s1 =	sshll.u32 s1, $0x11  }
0xbb: {  	s0 =	sor.u32 s1, s0  }
0xbc: {  	s0 =	sadd.s32 $0x8F2B, s0  }
0xbd: {  	[sflag:s0] =	ssyncadd.remote.s32 $0x1  }
0xbe: {  	_ =	sfence.sel $0xFFFF  }
0xbf: {  	[dreg:$0x0] =	wrdreg $0xFFFFFFFF;
	(pc) =	sbr.abs _section_cstart, $3  }
0xc0: {  	[dreg:$0x1] =	wrdreg $0xFFFFFFFF  }
0xc1: {  	_ =	task.clear_ibuf [dreg:s6], $0x2FFFF;
	_ =	strace $0x9FFFFFFF  }
0xc2: {  	(tm) =	ssettm $0x7FFFFFFF  }
0xc3: {  	_ =	shalt  }
tec
execute0_lowered:
.L_overlay_start_1:
0x0: {  	(tag) =	ssettag $0x1  }
0x1: {  	s1 =	srdreg.scid;
	s5 =	rddreg [dreg:$0x0]  }
0x2: {  	s0 =	stileid.u32;
	s2 =	rddreg [dreg:$0x1];
	s3 =	simm.s32 $0x0  }
0x3: {  	s11 =	simm.s32 $0x50;
	s12 =	simm.s32 $0x2710;
	s13 =	simm.s32 $0x0  }
0x4: {  	s4 =	sand.u32 $0x1, s1;
	s1 =	rddreg [dreg:$0x2];
	s8 =	smul.u32 $0x7D0, s0  }
0x5: {  	s29 =	sshll.u32 s0, $0x1;
	[smem:$0x7FF] =	sst s3;
	s10 =	smul.u32 $0xFA00, s0  }
0x6: {  	p0 =	sgt.u32 s0, $0x9;
	s6 =	sor.u32 s4, s29;
	s7 =	smul.u32 $0x4E20, s4  }
0x7: {  	_ =	strace $0x80000047;
	s9 =	ssub.s32 $0x2, s4;
	s6 =	smul.u32 $0x4E2, s6  }
0x8: {  	s4 =	sadd.s32 $0x17600, s5;
	s30 =	sshrl.u32 s9, $0x1;
	s31 =	sshrl.u32 s10, $0x2  }
0x9: {  	s7 =	sadd.s32 s8, s7;
	s8 =	ssub.s32 s9, s30;
	s6 =	sadd.s32 s6, s5  }
0xa: {  	s9 =	sadd.s32 s31, s2;
	s7 =	sadd.s32 s7, s5;
	s5 =	sadd.s32 $0x3A00, s6  }
0xb: {  	s6 =	sadd.s32 $0x17E00, s7;
	s7 =	smax.u32 s8, $0x1;
	s8 =	sshll.u32 @!p0 s0, $0x6  }
0xc: {  	v0 =	vimm.f32 $1.000000000e+00;
	s10 =	simm.s32 $0x1;
	s9 =	sshrl.u32 @!p0 s9, $0x3;
	s8 =	sor.u32 @!p0 $0x1C01, s8  }
.LBB2_1:
0xd: {  	[spmem:s9], [sflag:s8] =	dma.local @!p0 [hbm:s4], $0x7D0  }
0xe: {  	s14 =	simm.s32 @!p0 $0x1  }
0xf: {  	_ =	swait.ge @!p0 [sflag:s14], $0x7D0  }
0x10: {  	[sflag:s14] =	ssyncset.done @!p0 $0x0  }
0x11: {  	[sflag:s14] =	ssyncadd.s32 @!p0 $0xFFFFF830  }
0x12: {  	[tilespmem:s3], [sflag:$0x1] =	stream.linear.gather [hbm4b:s5+s3], $0x2710, $0x38;
	[tilespmem:$0x5320] =	vst v63  }
0x13: {  	_ =	swait.ge [sflag:s10], $0x2710  }
0x14: {  	[sflag:s10] =	ssyncset.done $0x0  }
0x15: {  	s15 =	simm.s32 $0x0;
	s14 =	simm.s32 $0x40;
	[sflag:s10] =	ssyncadd.s32 $0xFFFFD8F0  }
.LBB2_2:
0x16: {  	p1 =	sne.s32 s14, $0x13C0;
	[tilespmem:s15+$0x2710] =	vst v0;
	s15 =	smov.u32 s14;
	s14 =	sadd.s32 $0x40, s14  }
.Ltmp0:
0x17: {  	(pc) =	sbr.rel @p1 .LBB2_2-.Ltmp0, $2  }
0x18: {  	_ =	sdelay $0x2  }
0x19: {  	s15 =	sshra.s32 s15, $0x2  }
0x1a: {  	[tilespmem:s15+$0x2710] =	vst v0  }
0x1b: {  	s14 =	simm.s32 $0x0;
	[bflag:$0x0] =	sbarrier.arrive $0xFFFF  }
0x1c: {  	[spmem:s2] =	stream.indirect.scatter.add.f32 [tilespmem:s12], [sflag:$0x1], $0x10, s14, s11, $0xb8;
	[tilespmem:$0x5320] =	vst v63  }
0x1d: {  	_ =	swait.ge [sflag:s10], $0x500  }
0x1e: {  	s14 =	simm.s32 $0x140;
	[sflag:s10] =	ssyncset.done $0x0  }
.LBB2_4:
0x1f: {  	s15 =	sshra.s32 s14, $0x2;
	[sflag:s10] =	ssyncadd.s32 $0xFFFFFB00;
	p1 =	sne.s32 s14, $0x9B00  }
0x20: {  	[spmem:s2] =	stream.indirect.scatter.add.f32 [tilespmem:s12], [sflag:$0x1], $0x10, s15, s11, $0xb8;
	[tilespmem:$0x5320] =	vst v63  }
.Ltmp1:
0x21: {  	_ = 	snop;
	(pc) =	sbr.rel @p1 .LBB2_4-.Ltmp1, $4  }
0x22: {  	_ = 	snop  }
0x23: {  	s14 =	sadd.s32 $0x140, s14  }
0x24: {  	_ =	swait.ge [sflag:s10], $0x500  }
0x25: {  	[sflag:s10] =	ssyncset.done $0x0  }
0x26: {  	s13 =	sadd.s32 $0x1, s13  }
0x27: {  	[sflag:s10] =	ssyncadd.s32 $0xFFFFFB00;
	p1 =	sne.s32 s13, s7  }
.Ltmp2:
0x28: {  	s14 =	simm.s32 @!p0 $0x1;
	[bflag:$0x0] =	sbarrier.arrive $0xFFFF;
	(pc) =	sbr.rel @p1 .LBB2_1-.Ltmp2, $4  }
0x29: {  	[hbm:s6], [sflag:s8] =	dma.local @!p0 [spmem:s9], $0x7D0  }
0x2a: {  	_ =	swait.ge @!p0 [sflag:s14], $0x7D0  }
0x2b: {  	[sflag:s14] =	ssyncset.done @!p0 $0x0  }
0x2c: {  	[sflag:s14] =	ssyncadd.s32 @!p0 $0xFFFFF830  }
0x2d: {  	_ =	sfence.sel $0x180000  }
0x2e: {  	[bflag:$0x0] =	sbarrier.arrive $0xFFFF  }
0x2f: {  	p0 =	sne.s32 s0, $0x0;
	_ =	strace $0x90000047  }
0x30: {  	s0 =	sadd.s32 @!p0 $0x100000, s1;
	[bflag:$0x2] =	sbarrier.arrive $0xFFFF  }
0x31: {  	[sflag:s0] =	ssyncadd.tile.s32 @!p0 $0x1;
	_ =	shalt  }
.Lfunc_end2:
_tile_overlayer_lowered:
.L_overlay_start_2:
0x32: {  	(tag) =	ssettag $0x2  }
0x33: {  	s0 =	rddreg [dreg:$0x0];
	s2 =	stileid.u32  }
0x34: {  	s1 =	rddreg [dreg:$0x1];
	p0 =	sne.s32 s2, $0x0  }
0x35: {  	s3 =	rddreg [dreg:$0x2];
	[bflag:$0x3] =	sbarrier.arrive $0xFFFF;
	s2 =	simm.s32 @!p0 $0x1C01  }
0x36: {  	[timem:s3], [sflag:s2] =	dma.local @!p0 [hbm:s0], s1  }
0x37: {  	s0 =	simm.s32 @!p0 $0x1  }
0x38: {  	_ =	swait.ge @!p0 [sflag:s0], s1  }
0x39: {  	s1 =	ssub.s32 @!p0 $0x0, s1;
	[sflag:s0] =	ssyncset.done @!p0 $0x0  }
0x3a: {  	[sflag:s0] =	ssyncadd.s32 @!p0 s1  }
0x3b: {  	[bflag:$0x3] =	sbarrier.arrive $0xFFFF  }
0x3c: {  	_ =	shalt  }

</sc_bundles>
